<compile_context>
chip_gen: v7x
topology: tpu7x:2x2x1
jax: 0.10.2.dev20260603
libtpu: 0.0.44.dev20260713+nightly
codegen_flags: <defaults>
</compile_context>

<pallas_src>
import functools

import jax
import jax.numpy as jnp
from jax import lax
from jax.experimental import pallas as pl
from jax.experimental.pallas import tpu as pltpu
from jax.experimental.pallas import tpu_sc as plsc

NC = 2
NS = 16
NT = NC * NS
LANES = 16
CH = 128
SLAB = 80
DH = 64


def _hist_kernel_body(dst_hbm, out_hbm, dst_v, hist_v, *, nchunk, np_pad):
    cid = lax.axis_index("c")
    sid = lax.axis_index("s")
    wid = cid * NS + sid
    nh = nchunk // 2
    pltpu.sync_copy(dst_hbm.at[sid, pl.ds(cid * nh, nh)], dst_v)
    zero16 = jnp.zeros((LANES,), jnp.float32)

    def zbody(i, _):
        hist_v[pl.ds(i * LANES, LANES)] = zero16
        return 0

    lax.fori_loop(0, np_pad // LANES, zbody, 0)
    ones16 = jnp.ones((LANES,), jnp.float32)

    def hbody(j, _):
        for k in range(CH // LANES):
            idx = dst_v[j, pl.ds(k * LANES, LANES)]
            plsc.addupdate_scatter(hist_v, [idx], ones16)
        return 0

    lax.fori_loop(0, nh, hbody, 0)
    pltpu.sync_copy(hist_v, out_hbm.at[wid])


def _scatter_kernel_body(src_hbm, dst_hbm, xs_hbm, out_hbm,
                         src_v, dst_v, b0, b1, b2, b3, acc_sh, gsems, ssems,
                         *, nchunk, np_pad):
    cid = lax.axis_index("c")
    sid = lax.axis_index("s")
    rows_per_tile = np_pad // NS
    bufs = (b0, b1, b2, b3)

    zero16 = jnp.zeros((LANES,), jnp.float32)

    def zbody(r, _):
        for k in range(DH // LANES):
            b0[r, pl.ds(k * LANES, LANES)] = zero16
        return 0

    lax.fori_loop(0, CH, zbody, 0)
    for k in range(rows_per_tile // CH):
        pltpu.sync_copy(b0, acc_sh.at[pl.ds(sid * rows_per_tile + k * CH, CH)])
    plsc.subcore_barrier()

    def gwait(t):
        return pltpu.make_async_copy(xs_hbm.at[src_v.at[0]], bufs[t],
                                     gsems.at[t])

    def swait(t):
        return pltpu.make_async_copy(bufs[t], acc_sh.at[dst_v.at[0]],
                                     ssems.at[t])

    for s in range(nchunk // SLAB):
        pltpu.sync_copy(src_hbm.at[cid, sid, pl.ds(s * SLAB, SLAB)], src_v)
        pltpu.sync_copy(dst_hbm.at[sid, pl.ds(s * SLAB, SLAB)], dst_v)
        for t in range(4):
            pltpu.async_copy(xs_hbm.at[src_v.at[t]], bufs[t], gsems.at[t])

        def cbody(i, _):
            j = 4 * i
            for t in range(4):
                gwait(t).wait()
                pltpu.async_copy(bufs[t], acc_sh.at[dst_v.at[j + t]],
                                 ssems.at[t], add=True)
            for t in range(4):
                swait(t).wait()
                pltpu.async_copy(xs_hbm.at[src_v.at[j + 4 + t]], bufs[t],
                                 gsems.at[t])
            return 0

        lax.fori_loop(0, SLAB // 4 - 1, cbody, 0)
        for t in range(4):
            gwait(t).wait()
            pltpu.async_copy(bufs[t], acc_sh.at[dst_v.at[SLAB - 4 + t]],
                             ssems.at[t], add=True)
        for t in range(4):
            swait(t).wait()

    plsc.subcore_barrier()
    pltpu.sync_copy(acc_sh.at[pl.ds(sid * rows_per_tile, rows_per_tile)],
                    out_hbm.at[cid, pl.ds(sid * rows_per_tile, rows_per_tile)])


def _scale_body(hist_ref, x_ref, d_ref, xs_ref):
    ones_col = jnp.ones((NT, 1), jnp.float32)
    deg = lax.dot_general(hist_ref[...], ones_col,
                          dimension_numbers=(((0,), (0,)), ((), ())),
                          preferred_element_type=jnp.float32,
                          precision=lax.Precision.HIGHEST) + 1.0
    d = lax.rsqrt(deg)
    d_ref[...] = d
    xsc = x_ref[...] * d
    xs_ref[0] = xsc[:, :DH]
    xs_ref[1] = xsc[:, DH:]


def _dense_body(p_ref, xs_ref, x_ref, d_ref,
                cw_ref, cb_ref, w1_ref, b1_ref, w2_ref, b2_ref,
                w3_ref, b3_ref, y_ref):
    dn = (((1,), (0,)), ((), ()))
    acc = jnp.concatenate([p_ref[0] + xs_ref[0], p_ref[1] + xs_ref[1]],
                          axis=-1)
    g = lax.dot_general(acc, cw_ref[...], dn,
                        preferred_element_type=jnp.float32)
    g = g * d_ref[...] + cb_ref[...]
    h = jnp.maximum(g, 0.0) + x_ref[...]
    h1 = lax.dot_general(h, w1_ref[...], dn,
                         preferred_element_type=jnp.float32) + b1_ref[...]
    h1 = jnp.maximum(h1, 0.0)
    h2 = lax.dot_general(h1, w2_ref[...], dn,
                         preferred_element_type=jnp.float32) + b2_ref[...]
    h2 = jnp.maximum(h2, 0.0)
    y_ref[...] = lax.dot_general(h2, w3_ref[...], dn,
                                 preferred_element_type=jnp.float32) + b3_ref[...]


def kernel(x, edge_index, conv_W, conv_b, lin1_W, lin1_b, lin2_W, lin2_b,
           lin3_W, lin3_b):
    n, dfeat = x.shape
    e = edge_index.shape[1]
    m = lin1_W.shape[1]
    ept = e // NS
    nchunk = -(-ept // CH)
    nchunk = -(-nchunk // (2 * SLAB)) * (2 * SLAB)
    ept_pad = nchunk * CH
    np_pad = -(-n // (NS * CH)) * (NS * CH)
    if np_pad == n:
        np_pad += NS * CH
    assert ept * NS == e and dfeat == 2 * DH

    src = edge_index[0].reshape(NS, ept)
    dst = edge_index[1].reshape(NS, ept)
    pad_n = ept_pad - ept
    src_g = jnp.concatenate(
        [src, jnp.zeros((NS, pad_n), jnp.int32)], axis=1
    ).reshape(NS, nchunk, CH)
    src_p = jnp.stack([src_g, src_g + np_pad])
    dst_p = jnp.concatenate(
        [dst, jnp.full((NS, pad_n), n, jnp.int32)], axis=1
    ).reshape(NS, nchunk, CH)
    mesh = plsc.VectorSubcoreMesh(core_axis_name="c", subcore_axis_name="s")
    sc_params = pltpu.CompilerParams(needs_layout_passes=False)

    hist = pl.kernel(
        functools.partial(_hist_kernel_body, nchunk=nchunk, np_pad=np_pad),
        out_type=jax.ShapeDtypeStruct((NT, np_pad), jnp.float32),
        mesh=mesh,
        compiler_params=sc_params,
        scratch_types=[
            pltpu.VMEM((nchunk // 2, CH), jnp.int32),
            pltpu.VMEM((np_pad,), jnp.float32),
        ],
    )(dst_p)

    bn = 2560
    grid_b = np_pad // bn
    d_col, xs2 = pl.pallas_call(
        _scale_body,
        grid=(grid_b,),
        in_specs=[
            pl.BlockSpec((NT, bn), lambda i: (0, i)),
            pl.BlockSpec((bn, dfeat), lambda i: (i, 0)),
        ],
        out_specs=[
            pl.BlockSpec((bn, 1), lambda i: (i, 0)),
            pl.BlockSpec((2, bn, DH), lambda i: (0, i, 0)),
        ],
        out_shape=[
            jax.ShapeDtypeStruct((np_pad, 1), jnp.float32),
            jax.ShapeDtypeStruct((2, np_pad, DH), jnp.float32),
        ],
    )(hist, x)
    xs_tab = xs2.reshape(2 * np_pad, DH)

    parts = pl.kernel(
        functools.partial(_scatter_kernel_body, nchunk=nchunk,
                          np_pad=np_pad),
        out_type=jax.ShapeDtypeStruct((NC, np_pad, DH), jnp.float32),
        mesh=mesh,
        compiler_params=pltpu.CompilerParams(needs_layout_passes=False,
                                             use_tc_tiling_on_sc=False),
        scratch_types=[
            pltpu.VMEM((SLAB, CH), jnp.int32),
            pltpu.VMEM((SLAB, CH), jnp.int32),
            pltpu.VMEM((CH, DH), jnp.float32),
            pltpu.VMEM((CH, DH), jnp.float32),
            pltpu.VMEM((CH, DH), jnp.float32),
            pltpu.VMEM((CH, DH), jnp.float32),
            pltpu.VMEM_SHARED((np_pad, DH), jnp.float32),
            pltpu.SemaphoreType.DMA((4,)),
            pltpu.SemaphoreType.DMA((4,)),
        ],
    )(src_p, dst_p, xs_tab)

    bd = 2000
    grid_d = n // bd
    y = pl.pallas_call(
        _dense_body,
        grid=(grid_d,),
        in_specs=[
            pl.BlockSpec((NC, bd, DH), lambda i: (0, i, 0)),
            pl.BlockSpec((2, bd, DH), lambda i: (0, i, 0)),
            pl.BlockSpec((bd, dfeat), lambda i: (i, 0)),
            pl.BlockSpec((bd, 1), lambda i: (i, 0)),
            pl.BlockSpec((dfeat, dfeat), lambda i: (0, 0)),
            pl.BlockSpec((1, dfeat), lambda i: (0, 0)),
            pl.BlockSpec((dfeat, m), lambda i: (0, 0)),
            pl.BlockSpec((1, m), lambda i: (0, 0)),
            pl.BlockSpec((m, m), lambda i: (0, 0)),
            pl.BlockSpec((1, m), lambda i: (0, 0)),
            pl.BlockSpec((m, 1), lambda i: (0, 0)),
            pl.BlockSpec((1, 1), lambda i: (0, 0)),
        ],
        out_specs=pl.BlockSpec((bd, 1), lambda i: (i, 0)),
        out_shape=jax.ShapeDtypeStruct((n, 1), jnp.float32),
    )(parts, xs2, x, d_col,
      conv_W, conv_b.reshape(1, dfeat), lin1_W, lin1_b.reshape(1, m),
      lin2_W, lin2_b.reshape(1, m), lin3_W, lin3_b.reshape(1, 1))
    return y

# --- scband reference (transcript-rebuilt; emitter-appended) ---
"""Pipeline reference for scband-gnnactor-base-16509854285899 (READ-ONLY COPY).

The authoritative reference and input builder live on the scoring server;
editing this copy changes nothing except your own understanding.
"""

import jax, jax.numpy as jnp
import numpy as np

N = 10000
E = 320000
D = 128
M = 256


def setup_inputs(seed: int = 0) -> dict:
    key = jax.random.key(seed)
    ks = jax.random.split(key, 10)
    x = jax.random.normal(ks[0], (N, D), dtype=jnp.float32)
    edge_index = jax.random.randint(ks[1], (2, E), 0, N, dtype=jnp.int32)
    conv_W = jax.random.normal(ks[2], (D, D), dtype=jnp.float32) * (D ** -0.5)
    conv_b = jnp.zeros((D,), dtype=jnp.float32)
    lin1_W = jax.random.normal(ks[3], (D, M), dtype=jnp.float32) * (D ** -0.5)
    lin1_b = jnp.zeros((M,), dtype=jnp.float32)
    lin2_W = jax.random.normal(ks[4], (M, M), dtype=jnp.float32) * (M ** -0.5)
    lin2_b = jnp.zeros((M,), dtype=jnp.float32)
    lin3_W = jax.random.normal(ks[5], (M, 1), dtype=jnp.float32) * (M ** -0.5)
    lin3_b = jnp.zeros((1,), dtype=jnp.float32)
    return {
        "x": x,
        "edge_index": edge_index,
        "conv_W": conv_W,
        "conv_b": conv_b,
        "lin1_W": lin1_W,
        "lin1_b": lin1_b,
        "lin2_W": lin2_W,
        "lin2_b": lin2_b,
        "lin3_W": lin3_W,
        "lin3_b": lin3_b,
    }


def gcn_conv(x, edge_index, W, b):
    # PyG GCNConv with add_self_loops=True, symmetric normalization, bias after aggregation
    n = x.shape[0]
    loop = jnp.arange(n, dtype=edge_index.dtype)
    src = jnp.concatenate([edge_index[0], loop])
    dst = jnp.concatenate([edge_index[1], loop])
    deg = jnp.zeros((n,), dtype=x.dtype).at[dst].add(1.0)
    d_inv_sqrt = jnp.where(deg > 0, jax.lax.rsqrt(jnp.maximum(deg, 1e-12)), 0.0)
    norm = d_inv_sqrt[src] * d_inv_sqrt[dst]
    xw = x @ W
    msg = xw[src] * norm[:, None]
    out = jnp.zeros_like(xw).at[dst].add(msg)
    return out + b


def reference(x, edge_index, conv_W, conv_b, lin1_W, lin1_b, lin2_W, lin2_b, lin3_W, lin3_b):
    out = jax.nn.relu(gcn_conv(x, edge_index, conv_W, conv_b))
    h = out + x
    h = jax.nn.relu(h @ lin1_W + lin1_b)
    h = jax.nn.relu(h @ lin2_W + lin2_b)
    h = h @ lin3_W + lin3_b
    return h

if __name__ == "__main__":
    import jax
    _d = setup_inputs()
    print(jax.jit(kernel)(*tuple(_d.values())))

</pallas_src>

<mosaic_0001>
#map = affine_map<(d0, d1) -> (0, 0, 0)>
#map1 = affine_map<(d0, d1) -> (0, 0)>
module attributes {stable_mosaic.version = 14 : i64} {
  func.func @_hist_kernel_body(%arg0: i32, %arg1: i32, %arg2: memref<16x160x128xi32, #tpu.memory_space<hbm>>, %arg3: memref<32x10240xf32, #tpu.memory_space<hbm>>, %arg4: memref<80x128xi32, #tpu.memory_space<vmem>>, %arg5: memref<10240xf32, #tpu.memory_space<vmem>>) attributes {dimension_semantics = [#tpu.dimension_semantics<core_parallel>, #tpu.dimension_semantics<subcore_parallel>], iteration_bounds = array<i64: 2, 16>, scalar_prefetch = 0 : i64, scratch_operands = 2 : i64, tpu.core_type = #tpu.core_type<sc_vector_subcore>, window_params = [{transform_indices = #map}, {transform_indices = #map1}]} {
    %mul3A = arith.constant 16 : i32
    %mul3A_0 = arith.muli %arg0, %mul3A : i32
    %add3A = arith.addi %mul3A_0, %arg1 : i32
    %mul3A_1 = arith.constant 80 : i32
    %mul3A_2 = arith.muli %arg0, %mul3A_1 : i32
    "tpu.region"() ({
      %run_scoped3A = tpu.sem_alloc : memref<!tpu.dma_semaphore, #tpu.memory_space<semaphore_mem>>
      %dma_start3A = arith.constant 0 : i32
      %dma_start3A_19 = tpu.memref_slice %arg2[%arg1, %mul3A_2, %dma_start3A] : memref<16x160x128xi32, #tpu.memory_space<hbm>> -> memref<1x80x128xi32, #tpu.memory_space<hbm>>
      %dma_start3A_20 = tpu.memref_squeeze %dma_start3A_19 : memref<1x80x128xi32, #tpu.memory_space<hbm>> -> memref<80x128xi32, #tpu.memory_space<hbm>>
      %dma_start3A_21 = arith.constant 0 : i32
      %dma_start3A_22 = tpu.memref_slice %arg2[%arg1, %mul3A_2, %dma_start3A_21] : memref<16x160x128xi32, #tpu.memory_space<hbm>> -> memref<1x80x128xi32, #tpu.memory_space<hbm>>
      %dma_start3A_23 = tpu.memref_squeeze %dma_start3A_22 : memref<1x80x128xi32, #tpu.memory_space<hbm>> -> memref<80x128xi32, #tpu.memory_space<hbm>>
      tpu.enqueue_dma source(%dma_start3A_23 : memref<80x128xi32, #tpu.memory_space<hbm>>) target(%arg4 : memref<80x128xi32, #tpu.memory_space<vmem>>) target_semaphore(%run_scoped3A : memref<!tpu.dma_semaphore, #tpu.memory_space<semaphore_mem>>)
      %dma_wait3A = arith.constant 0 : i32
      %dma_wait3A_24 = tpu.memref_slice %arg2[%arg1, %mul3A_2, %dma_wait3A] : memref<16x160x128xi32, #tpu.memory_space<hbm>> -> memref<1x80x128xi32, #tpu.memory_space<hbm>>
      %dma_wait3A_25 = tpu.memref_squeeze %dma_wait3A_24 : memref<1x80x128xi32, #tpu.memory_space<hbm>> -> memref<80x128xi32, #tpu.memory_space<hbm>>
      %dma_wait3A_26 = arith.constant 0 : i32
      %dma_wait3A_27 = tpu.memref_slice %arg2[%arg1, %mul3A_2, %dma_wait3A_26] : memref<16x160x128xi32, #tpu.memory_space<hbm>> -> memref<1x80x128xi32, #tpu.memory_space<hbm>>
      %dma_wait3A_28 = tpu.memref_squeeze %dma_wait3A_27 : memref<1x80x128xi32, #tpu.memory_space<hbm>> -> memref<80x128xi32, #tpu.memory_space<hbm>>
      tpu.wait_dma2 semaphore(%run_scoped3A : memref<!tpu.dma_semaphore, #tpu.memory_space<semaphore_mem>>) src(%dma_wait3A_28 : memref<80x128xi32, #tpu.memory_space<hbm>>) dst(%arg4 : memref<80x128xi32, #tpu.memory_space<vmem>>)
      tpu.yield
    }) : () -> ()
    %broadcast_in_dim3A = arith.constant 0.000000e+00 : f32
    %broadcast_in_dim3A_3 = vector.broadcast %broadcast_in_dim3A : f32 to vector<16xf32>
    %scan3A = arith.constant 0 : i32
    %scan3A_4 = arith.constant 0 : i32
    %scan3A_5 = arith.constant 640 : i32
    %scan3A_6 = arith.addi %scan3A_4, %scan3A_5 : i32
    %scan3A_7 = arith.constant 1 : i32
    %scan3A_8 = scf.for %scan3A_19 = %scan3A_4 to %scan3A_6 step %scan3A_7 iter_args(%scan3A_20 = %scan3A) -> (i32)  : i32 {
      %mul3A_21 = arith.constant 16 : i32
      %mul3A_22 = arith.muli %scan3A_19, %mul3A_21 : i32
      %swap3A = arith.index_cast %mul3A_22 : i32 to index
      %swap3A_23 = tpu.vector_load %arg5[%swap3A] {strides = array<i32>} : memref<10240xf32, #tpu.memory_space<vmem>>, vector<16xf32>,
      tpu.vector_store %arg5[%swap3A], %broadcast_in_dim3A_3 {strides = array<i32>} : memref<10240xf32, #tpu.memory_space<vmem>>, vector<16xf32>,
      %scan3A_24 = arith.constant 0 : i32
      scf.yield %scan3A_24 : i32
    }
    %scan3A_9 = arith.constant 640 : i32
    %broadcast_in_dim3A_10 = arith.constant 1.000000e+00 : f32
    %broadcast_in_dim3A_11 = vector.broadcast %broadcast_in_dim3A_10 : f32 to vector<16xf32>
    %scan3A_12 = arith.constant 0 : i32
    %scan3A_13 = arith.constant 0 : i32
    %scan3A_14 = arith.constant 80 : i32
    %scan3A_15 = arith.addi %scan3A_13, %scan3A_14 : i32
    %scan3A_16 = arith.constant 1 : i32
    %scan3A_17 = scf.for %scan3A_19 = %scan3A_13 to %scan3A_15 step %scan3A_16 iter_args(%scan3A_20 = %scan3A_12) -> (i32)  : i32 {
      %get3A = arith.index_cast %scan3A_19 : i32 to index
      %get3A_21 = arith.constant 0 : index
      %get3A_22 = tpu.vector_load %arg4[%get3A, %get3A_21] {strides = array<i32>} : memref<80x128xi32, #tpu.memory_space<vmem>>, vector<16xi32>,
      tpu.vector_store_idx %arg5[%get3A_22], %broadcast_in_dim3A_11 {add = true} : memref<10240xf32, #tpu.memory_space<vmem>>[vector<16xi32>], vector<16xf32>,
      %get3A_23 = arith.index_cast %scan3A_19 : i32 to index
      %get3A_24 = arith.constant 16 : index
      %get3A_25 = tpu.vector_load %arg4[%get3A_23, %get3A_24] {strides = array<i32>} : memref<80x128xi32, #tpu.memory_space<vmem>>, vector<16xi32>,
      tpu.vector_store_idx %arg5[%get3A_25], %broadcast_in_dim3A_11 {add = true} : memref<10240xf32, #tpu.memory_space<vmem>>[vector<16xi32>], vector<16xf32>,
      %get3A_26 = arith.index_cast %scan3A_19 : i32 to index
      %get3A_27 = arith.constant 32 : index
      %get3A_28 = tpu.vector_load %arg4[%get3A_26, %get3A_27] {strides = array<i32>} : memref<80x128xi32, #tpu.memory_space<vmem>>, vector<16xi32>,
      tpu.vector_store_idx %arg5[%get3A_28], %broadcast_in_dim3A_11 {add = true} : memref<10240xf32, #tpu.memory_space<vmem>>[vector<16xi32>], vector<16xf32>,
      %get3A_29 = arith.index_cast %scan3A_19 : i32 to index
      %get3A_30 = arith.constant 48 : index
      %get3A_31 = tpu.vector_load %arg4[%get3A_29, %get3A_30] {strides = array<i32>} : memref<80x128xi32, #tpu.memory_space<vmem>>, vector<16xi32>,
      tpu.vector_store_idx %arg5[%get3A_31], %broadcast_in_dim3A_11 {add = true} : memref<10240xf32, #tpu.memory_space<vmem>>[vector<16xi32>], vector<16xf32>,
      %get3A_32 = arith.index_cast %scan3A_19 : i32 to index
      %get3A_33 = arith.constant 64 : index
      %get3A_34 = tpu.vector_load %arg4[%get3A_32, %get3A_33] {strides = array<i32>} : memref<80x128xi32, #tpu.memory_space<vmem>>, vector<16xi32>,
      tpu.vector_store_idx %arg5[%get3A_34], %broadcast_in_dim3A_11 {add = true} : memref<10240xf32, #tpu.memory_space<vmem>>[vector<16xi32>], vector<16xf32>,
      %get3A_35 = arith.index_cast %scan3A_19 : i32 to index
      %get3A_36 = arith.constant 80 : index
      %get3A_37 = tpu.vector_load %arg4[%get3A_35, %get3A_36] {strides = array<i32>} : memref<80x128xi32, #tpu.memory_space<vmem>>, vector<16xi32>,
      tpu.vector_store_idx %arg5[%get3A_37], %broadcast_in_dim3A_11 {add = true} : memref<10240xf32, #tpu.memory_space<vmem>>[vector<16xi32>], vector<16xf32>,
      %get3A_38 = arith.index_cast %scan3A_19 : i32 to index
      %get3A_39 = arith.constant 96 : index
      %get3A_40 = tpu.vector_load %arg4[%get3A_38, %get3A_39] {strides = array<i32>} : memref<80x128xi32, #tpu.memory_space<vmem>>, vector<16xi32>,
      tpu.vector_store_idx %arg5[%get3A_40], %broadcast_in_dim3A_11 {add = true} : memref<10240xf32, #tpu.memory_space<vmem>>[vector<16xi32>], vector<16xf32>,
      %get3A_41 = arith.index_cast %scan3A_19 : i32 to index
      %get3A_42 = arith.constant 112 : index
      %get3A_43 = tpu.vector_load %arg4[%get3A_41, %get3A_42] {strides = array<i32>} : memref<80x128xi32, #tpu.memory_space<vmem>>, vector<16xi32>,
      tpu.vector_store_idx %arg5[%get3A_43], %broadcast_in_dim3A_11 {add = true} : memref<10240xf32, #tpu.memory_space<vmem>>[vector<16xi32>], vector<16xf32>,
      %scan3A_44 = arith.constant 0 : i32
      scf.yield %scan3A_44 : i32
    }
    %scan3A_18 = arith.constant 80 : i32
    "tpu.region"() ({
      %run_scoped3A = tpu.sem_alloc : memref<!tpu.dma_semaphore, #tpu.memory_space<semaphore_mem>>
      %dma_start3A = arith.constant 0 : i32
      %dma_start3A_19 = tpu.memref_slice %arg3[%add3A, %dma_start3A] : memref<32x10240xf32, #tpu.memory_space<hbm>> -> memref<1x10240xf32, #tpu.memory_space<hbm>>
      %dma_start3A_20 = tpu.memref_squeeze %dma_start3A_19 : memref<1x10240xf32, #tpu.memory_space<hbm>> -> memref<10240xf32, #tpu.memory_space<hbm>>
      %dma_start3A_21 = arith.constant 0 : i32
      %dma_start3A_22 = tpu.memref_slice %arg3[%add3A, %dma_start3A_21] : memref<32x10240xf32, #tpu.memory_space<hbm>> -> memref<1x10240xf32, #tpu.memory_space<hbm>>
      %dma_start3A_23 = tpu.memref_squeeze %dma_start3A_22 : memref<1x10240xf32, #tpu.memory_space<hbm>> -> memref<10240xf32, #tpu.memory_space<hbm>>
      tpu.enqueue_dma source(%arg5 : memref<10240xf32, #tpu.memory_space<vmem>>) target(%dma_start3A_23 : memref<10240xf32, #tpu.memory_space<hbm>>) target_semaphore(%run_scoped3A : memref<!tpu.dma_semaphore, #tpu.memory_space<semaphore_mem>>)
      %dma_wait3A = arith.constant 0 : i32
      %dma_wait3A_24 = tpu.memref_slice %arg3[%add3A, %dma_wait3A] : memref<32x10240xf32, #tpu.memory_space<hbm>> -> memref<1x10240xf32, #tpu.memory_space<hbm>>
      %dma_wait3A_25 = tpu.memref_squeeze %dma_wait3A_24 : memref<1x10240xf32, #tpu.memory_space<hbm>> -> memref<10240xf32, #tpu.memory_space<hbm>>
      %dma_wait3A_26 = arith.constant 0 : i32
      %dma_wait3A_27 = tpu.memref_slice %arg3[%add3A, %dma_wait3A_26] : memref<32x10240xf32, #tpu.memory_space<hbm>> -> memref<1x10240xf32, #tpu.memory_space<hbm>>
      %dma_wait3A_28 = tpu.memref_squeeze %dma_wait3A_27 : memref<1x10240xf32, #tpu.memory_space<hbm>> -> memref<10240xf32, #tpu.memory_space<hbm>>
      tpu.wait_dma2 semaphore(%run_scoped3A : memref<!tpu.dma_semaphore, #tpu.memory_space<semaphore_mem>>) src(%arg5 : memref<10240xf32, #tpu.memory_space<vmem>>) dst(%dma_wait3A_28 : memref<10240xf32, #tpu.memory_space<hbm>>)
      tpu.yield
    }) : () -> ()
    return
  }
}

#map = affine_map<(d0, d1) -> (0, 0, 0, 0)>
#map1 = affine_map<(d0, d1) -> (0, 0, 0)>
#map2 = affine_map<(d0, d1) -> (0, 0)>
module attributes {stable_mosaic.version = 14 : i64} {
  func.func @_scatter_kernel_body(%arg0: i32, %arg1: i32, %arg2: memref<2x16x160x128xi32, #tpu.memory_space<hbm>>, %arg3: memref<16x160x128xi32, #tpu.memory_space<hbm>>, %arg4: memref<20480x64xf32, #tpu.memory_space<hbm>>, %arg5: memref<2x10240x64xf32, #tpu.memory_space<hbm>>, %arg6: memref<80x128xi32, #tpu.memory_space<vmem>>, %arg7: memref<80x128xi32, #tpu.memory_space<vmem>>, %arg8: memref<128x64xf32, #tpu.memory_space<vmem>>, %arg9: memref<128x64xf32, #tpu.memory_space<vmem>>, %arg10: memref<128x64xf32, #tpu.memory_space<vmem>>, %arg11: memref<128x64xf32, #tpu.memory_space<vmem>>, %arg12: memref<10240x64xf32, #tpu.memory_space<vmem_shared>>, %arg13: memref<4x!tpu.dma_semaphore, #tpu.memory_space<semaphore_mem>>, %arg14: memref<4x!tpu.dma_semaphore, #tpu.memory_space<semaphore_mem>>) attributes {dimension_semantics = [#tpu.dimension_semantics<core_parallel>, #tpu.dimension_semantics<subcore_parallel>], iteration_bounds = array<i64: 2, 16>, scalar_prefetch = 0 : i64, scratch_operands = 9 : i64, tpu.core_type = #tpu.core_type<sc_vector_subcore>, window_params = [{transform_indices = #map}, {transform_indices = #map1}, {transform_indices = #map2}, {transform_indices = #map1}]} {
    %broadcast_in_dim3A = arith.constant 0.000000e+00 : f32
    %broadcast_in_dim3A_0 = vector.broadcast %broadcast_in_dim3A : f32 to vector<16xf32>
    %scan3A = arith.constant 0 : i32
    %scan3A_1 = arith.constant 0 : i32
    %scan3A_2 = arith.constant 128 : i32
    %scan3A_3 = arith.addi %scan3A_1, %scan3A_2 : i32
    %scan3A_4 = arith.constant 1 : i32
    %scan3A_5 = scf.for %scan3A_362 = %scan3A_1 to %scan3A_3 step %scan3A_4 iter_args(%scan3A_363 = %scan3A) -> (i32)  : i32 {
      %swap3A = arith.index_cast %scan3A_362 : i32 to index
      %swap3A_364 = arith.constant 0 : index
      %swap3A_365 = tpu.vector_load %arg8[%swap3A, %swap3A_364] {strides = array<i32>} : memref<128x64xf32, #tpu.memory_space<vmem>>, vector<16xf32>,
      tpu.vector_store %arg8[%swap3A, %swap3A_364], %broadcast_in_dim3A_0 {strides = array<i32>} : memref<128x64xf32, #tpu.memory_space<vmem>>, vector<16xf32>,
      %swap3A_366 = arith.index_cast %scan3A_362 : i32 to index
      %swap3A_367 = arith.constant 16 : index
      %swap3A_368 = tpu.vector_load %arg8[%swap3A_366, %swap3A_367] {strides = array<i32>} : memref<128x64xf32, #tpu.memory_space<vmem>>, vector<16xf32>,
      tpu.vector_store %arg8[%swap3A_366, %swap3A_367], %broadcast_in_dim3A_0 {strides = array<i32>} : memref<128x64xf32, #tpu.memory_space<vmem>>, vector<16xf32>,
      %swap3A_369 = arith.index_cast %scan3A_362 : i32 to index
      %swap3A_370 = arith.constant 32 : index
      %swap3A_371 = tpu.vector_load %arg8[%swap3A_369, %swap3A_370] {strides = array<i32>} : memref<128x64xf32, #tpu.memory_space<vmem>>, vector<16xf32>,
      tpu.vector_store %arg8[%swap3A_369, %swap3A_370], %broadcast_in_dim3A_0 {strides = array<i32>} : memref<128x64xf32, #tpu.memory_space<vmem>>, vector<16xf32>,
      %swap3A_372 = arith.index_cast %scan3A_362 : i32 to index
      %swap3A_373 = arith.constant 48 : index
      %swap3A_374 = tpu.vector_load %arg8[%swap3A_372, %swap3A_373] {strides = array<i32>} : memref<128x64xf32, #tpu.memory_space<vmem>>, vector<16xf32>,
      tpu.vector_store %arg8[%swap3A_372, %swap3A_373], %broadcast_in_dim3A_0 {strides = array<i32>} : memref<128x64xf32, #tpu.memory_space<vmem>>, vector<16xf32>,
      %scan3A_375 = arith.constant 0 : i32
      scf.yield %scan3A_375 : i32
    }
    %scan3A_6 = arith.constant 128 : i32
    %mul3A = arith.constant 640 : i32
    %mul3A_7 = arith.muli %arg1, %mul3A : i32
    %add3A = arith.constant 0 : i32
    %add3A_8 = arith.addi %mul3A_7, %add3A : i32
    "tpu.region"() ({
      %run_scoped3A = tpu.sem_alloc : memref<!tpu.dma_semaphore, #tpu.memory_space<semaphore_mem>>
      %dma_start3A_362 = arith.constant 0 : i32
      %dma_start3A_363 = tpu.memref_slice %arg12[%add3A_8, %dma_start3A_362] : memref<10240x64xf32, #tpu.memory_space<vmem_shared>> -> memref<128x64xf32, #tpu.memory_space<vmem_shared>>
      %dma_start3A_364 = arith.constant 0 : i32
      %dma_start3A_365 = tpu.memref_slice %arg12[%add3A_8, %dma_start3A_364] : memref<10240x64xf32, #tpu.memory_space<vmem_shared>> -> memref<128x64xf32, #tpu.memory_space<vmem_shared>>
      tpu.enqueue_dma source(%arg8 : memref<128x64xf32, #tpu.memory_space<vmem>>) target(%dma_start3A_365 : memref<128x64xf32, #tpu.memory_space<vmem_shared>>) target_semaphore(%run_scoped3A : memref<!tpu.dma_semaphore, #tpu.memory_space<semaphore_mem>>)
      %dma_wait3A_366 = arith.constant 0 : i32
      %dma_wait3A_367 = tpu.memref_slice %arg12[%add3A_8, %dma_wait3A_366] : memref<10240x64xf32, #tpu.memory_space<vmem_shared>> -> memref<128x64xf32, #tpu.memory_space<vmem_shared>>
      %dma_wait3A_368 = arith.constant 0 : i32
      %dma_wait3A_369 = tpu.memref_slice %arg12[%add3A_8, %dma_wait3A_368] : memref<10240x64xf32, #tpu.memory_space<vmem_shared>> -> memref<128x64xf32, #tpu.memory_space<vmem_shared>>
      tpu.wait_dma2 semaphore(%run_scoped3A : memref<!tpu.dma_semaphore, #tpu.memory_space<semaphore_mem>>) src(%arg8 : memref<128x64xf32, #tpu.memory_space<vmem>>) dst(%dma_wait3A_369 : memref<128x64xf32, #tpu.memory_space<vmem_shared>>)
      tpu.yield
    }) : () -> ()
    %mul3A_9 = arith.constant 640 : i32
    %mul3A_10 = arith.muli %arg1, %mul3A_9 : i32
    %add3A_11 = arith.constant 128 : i32
    %add3A_12 = arith.addi %mul3A_10, %add3A_11 : i32
    "tpu.region"() ({
      %run_scoped3A = tpu.sem_alloc : memref<!tpu.dma_semaphore, #tpu.memory_space<semaphore_mem>>
      %dma_start3A_362 = arith.constant 0 : i32
      %dma_start3A_363 = tpu.memref_slice %arg12[%add3A_12, %dma_start3A_362] : memref<10240x64xf32, #tpu.memory_space<vmem_shared>> -> memref<128x64xf32, #tpu.memory_space<vmem_shared>>
      %dma_start3A_364 = arith.constant 0 : i32
      %dma_start3A_365 = tpu.memref_slice %arg12[%add3A_12, %dma_start3A_364] : memref<10240x64xf32, #tpu.memory_space<vmem_shared>> -> memref<128x64xf32, #tpu.memory_space<vmem_shared>>
      tpu.enqueue_dma source(%arg8 : memref<128x64xf32, #tpu.memory_space<vmem>>) target(%dma_start3A_365 : memref<128x64xf32, #tpu.memory_space<vmem_shared>>) target_semaphore(%run_scoped3A : memref<!tpu.dma_semaphore, #tpu.memory_space<semaphore_mem>>)
      %dma_wait3A_366 = arith.constant 0 : i32
      %dma_wait3A_367 = tpu.memref_slice %arg12[%add3A_12, %dma_wait3A_366] : memref<10240x64xf32, #tpu.memory_space<vmem_shared>> -> memref<128x64xf32, #tpu.memory_space<vmem_shared>>
      %dma_wait3A_368 = arith.constant 0 : i32
      %dma_wait3A_369 = tpu.memref_slice %arg12[%add3A_12, %dma_wait3A_368] : memref<10240x64xf32, #tpu.memory_space<vmem_shared>> -> memref<128x64xf32, #tpu.memory_space<vmem_shared>>
      tpu.wait_dma2 semaphore(%run_scoped3A : memref<!tpu.dma_semaphore, #tpu.memory_space<semaphore_mem>>) src(%arg8 : memref<128x64xf32, #tpu.memory_space<vmem>>) dst(%dma_wait3A_369 : memref<128x64xf32, #tpu.memory_space<vmem_shared>>)
      tpu.yield
    }) : () -> ()
    %mul3A_13 = arith.constant 640 : i32
    %mul3A_14 = arith.muli %arg1, %mul3A_13 : i32
    %add3A_15 = arith.constant 256 : i32
    %add3A_16 = arith.addi %mul3A_14, %add3A_15 : i32
    "tpu.region"() ({
      %run_scoped3A = tpu.sem_alloc : memref<!tpu.dma_semaphore, #tpu.memory_space<semaphore_mem>>
      %dma_start3A_362 = arith.constant 0 : i32
      %dma_start3A_363 = tpu.memref_slice %arg12[%add3A_16, %dma_start3A_362] : memref<10240x64xf32, #tpu.memory_space<vmem_shared>> -> memref<128x64xf32, #tpu.memory_space<vmem_shared>>
      %dma_start3A_364 = arith.constant 0 : i32
      %dma_start3A_365 = tpu.memref_slice %arg12[%add3A_16, %dma_start3A_364] : memref<10240x64xf32, #tpu.memory_space<vmem_shared>> -> memref<128x64xf32, #tpu.memory_space<vmem_shared>>
      tpu.enqueue_dma source(%arg8 : memref<128x64xf32, #tpu.memory_space<vmem>>) target(%dma_start3A_365 : memref<128x64xf32, #tpu.memory_space<vmem_shared>>) target_semaphore(%run_scoped3A : memref<!tpu.dma_semaphore, #tpu.memory_space<semaphore_mem>>)
      %dma_wait3A_366 = arith.constant 0 : i32
      %dma_wait3A_367 = tpu.memref_slice %arg12[%add3A_16, %dma_wait3A_366] : memref<10240x64xf32, #tpu.memory_space<vmem_shared>> -> memref<128x64xf32, #tpu.memory_space<vmem_shared>>
      %dma_wait3A_368 = arith.constant 0 : i32
      %dma_wait3A_369 = tpu.memref_slice %arg12[%add3A_16, %dma_wait3A_368] : memref<10240x64xf32, #tpu.memory_space<vmem_shared>> -> memref<128x64xf32, #tpu.memory_space<vmem_shared>>
      tpu.wait_dma2 semaphore(%run_scoped3A : memref<!tpu.dma_semaphore, #tpu.memory_space<semaphore_mem>>) src(%arg8 : memref<128x64xf32, #tpu.memory_space<vmem>>) dst(%dma_wait3A_369 : memref<128x64xf32, #tpu.memory_space<vmem_shared>>)
      tpu.yield
    }) : () -> ()
    %mul3A_17 = arith.constant 640 : i32
    %mul3A_18 = arith.muli %arg1, %mul3A_17 : i32
    %add3A_19 = arith.constant 384 : i32
    %add3A_20 = arith.addi %mul3A_18, %add3A_19 : i32
    "tpu.region"() ({
      %run_scoped3A = tpu.sem_alloc : memref<!tpu.dma_semaphore, #tpu.memory_space<semaphore_mem>>
      %dma_start3A_362 = arith.constant 0 : i32
      %dma_start3A_363 = tpu.memref_slice %arg12[%add3A_20, %dma_start3A_362] : memref<10240x64xf32, #tpu.memory_space<vmem_shared>> -> memref<128x64xf32, #tpu.memory_space<vmem_shared>>
      %dma_start3A_364 = arith.constant 0 : i32
      %dma_start3A_365 = tpu.memref_slice %arg12[%add3A_20, %dma_start3A_364] : memref<10240x64xf32, #tpu.memory_space<vmem_shared>> -> memref<128x64xf32, #tpu.memory_space<vmem_shared>>
      tpu.enqueue_dma source(%arg8 : memref<128x64xf32, #tpu.memory_space<vmem>>) target(%dma_start3A_365 : memref<128x64xf32, #tpu.memory_space<vmem_shared>>) target_semaphore(%run_scoped3A : memref<!tpu.dma_semaphore, #tpu.memory_space<semaphore_mem>>)
      %dma_wait3A_366 = arith.constant 0 : i32
      %dma_wait3A_367 = tpu.memref_slice %arg12[%add3A_20, %dma_wait3A_366] : memref<10240x64xf32, #tpu.memory_space<vmem_shared>> -> memref<128x64xf32, #tpu.memory_space<vmem_shared>>
      %dma_wait3A_368 = arith.constant 0 : i32
      %dma_wait3A_369 = tpu.memref_slice %arg12[%add3A_20, %dma_wait3A_368] : memref<10240x64xf32, #tpu.memory_space<vmem_shared>> -> memref<128x64xf32, #tpu.memory_space<vmem_shared>>
      tpu.wait_dma2 semaphore(%run_scoped3A : memref<!tpu.dma_semaphore, #tpu.memory_space<semaphore_mem>>) src(%arg8 : memref<128x64xf32, #tpu.memory_space<vmem>>) dst(%dma_wait3A_369 : memref<128x64xf32, #tpu.memory_space<vmem_shared>>)
      tpu.yield
    }) : () -> ()
    %mul3A_21 = arith.constant 640 : i32
    %mul3A_22 = arith.muli %arg1, %mul3A_21 : i32
    %add3A_23 = arith.constant 512 : i32
    %add3A_24 = arith.addi %mul3A_22, %add3A_23 : i32
    "tpu.region"() ({
      %run_scoped3A = tpu.sem_alloc : memref<!tpu.dma_semaphore, #tpu.memory_space<semaphore_mem>>
      %dma_start3A_362 = arith.constant 0 : i32
      %dma_start3A_363 = tpu.memref_slice %arg12[%add3A_24, %dma_start3A_362] : memref<10240x64xf32, #tpu.memory_space<vmem_shared>> -> memref<128x64xf32, #tpu.memory_space<vmem_shared>>
      %dma_start3A_364 = arith.constant 0 : i32
      %dma_start3A_365 = tpu.memref_slice %arg12[%add3A_24, %dma_start3A_364] : memref<10240x64xf32, #tpu.memory_space<vmem_shared>> -> memref<128x64xf32, #tpu.memory_space<vmem_shared>>
      tpu.enqueue_dma source(%arg8 : memref<128x64xf32, #tpu.memory_space<vmem>>) target(%dma_start3A_365 : memref<128x64xf32, #tpu.memory_space<vmem_shared>>) target_semaphore(%run_scoped3A : memref<!tpu.dma_semaphore, #tpu.memory_space<semaphore_mem>>)
      %dma_wait3A_366 = arith.constant 0 : i32
      %dma_wait3A_367 = tpu.memref_slice %arg12[%add3A_24, %dma_wait3A_366] : memref<10240x64xf32, #tpu.memory_space<vmem_shared>> -> memref<128x64xf32, #tpu.memory_space<vmem_shared>>
      %dma_wait3A_368 = arith.constant 0 : i32
      %dma_wait3A_369 = tpu.memref_slice %arg12[%add3A_24, %dma_wait3A_368] : memref<10240x64xf32, #tpu.memory_space<vmem_shared>> -> memref<128x64xf32, #tpu.memory_space<vmem_shared>>
      tpu.wait_dma2 semaphore(%run_scoped3A : memref<!tpu.dma_semaphore, #tpu.memory_space<semaphore_mem>>) src(%arg8 : memref<128x64xf32, #tpu.memory_space<vmem>>) dst(%dma_wait3A_369 : memref<128x64xf32, #tpu.memory_space<vmem_shared>>)
      tpu.yield
    }) : () -> ()
    %barrier3A = arith.constant 0 : index
    tpu.barrier barrier_id(%barrier3A)
    "tpu.region"() ({
      %run_scoped3A = tpu.sem_alloc : memref<!tpu.dma_semaphore, #tpu.memory_space<semaphore_mem>>
      %dma_start3A_362 = arith.constant 0 : i32
      %dma_start3A_363 = arith.constant 0 : i32
      %dma_start3A_364 = tpu.memref_slice %arg2[%arg0, %arg1, %dma_start3A_362, %dma_start3A_363] : memref<2x16x160x128xi32, #tpu.memory_space<hbm>> -> memref<1x1x80x128xi32, #tpu.memory_space<hbm>>
      %dma_start3A_365 = tpu.memref_squeeze %dma_start3A_364 : memref<1x1x80x128xi32, #tpu.memory_space<hbm>> -> memref<80x128xi32, #tpu.memory_space<hbm>>
      %dma_start3A_366 = arith.constant 0 : i32
      %dma_start3A_367 = arith.constant 0 : i32
      %dma_start3A_368 = tpu.memref_slice %arg2[%arg0, %arg1, %dma_start3A_366, %dma_start3A_367] : memref<2x16x160x128xi32, #tpu.memory_space<hbm>> -> memref<1x1x80x128xi32, #tpu.memory_space<hbm>>
      %dma_start3A_369 = tpu.memref_squeeze %dma_start3A_368 : memref<1x1x80x128xi32, #tpu.memory_space<hbm>> -> memref<80x128xi32, #tpu.memory_space<hbm>>
      tpu.enqueue_dma source(%dma_start3A_369 : memref<80x128xi32, #tpu.memory_space<hbm>>) target(%arg6 : memref<80x128xi32, #tpu.memory_space<vmem>>) target_semaphore(%run_scoped3A : memref<!tpu.dma_semaphore, #tpu.memory_space<semaphore_mem>>)
      %dma_wait3A_370 = arith.constant 0 : i32
      %dma_wait3A_371 = arith.constant 0 : i32
      %dma_wait3A_372 = tpu.memref_slice %arg2[%arg0, %arg1, %dma_wait3A_370, %dma_wait3A_371] : memref<2x16x160x128xi32, #tpu.memory_space<hbm>> -> memref<1x1x80x128xi32, #tpu.memory_space<hbm>>
      %dma_wait3A_373 = tpu.memref_squeeze %dma_wait3A_372 : memref<1x1x80x128xi32, #tpu.memory_space<hbm>> -> memref<80x128xi32, #tpu.memory_space<hbm>>
      %dma_wait3A_374 = arith.constant 0 : i32
      %dma_wait3A_375 = arith.constant 0 : i32
      %dma_wait3A_376 = tpu.memref_slice %arg2[%arg0, %arg1, %dma_wait3A_374, %dma_wait3A_375] : memref<2x16x160x128xi32, #tpu.memory_space<hbm>> -> memref<1x1x80x128xi32, #tpu.memory_space<hbm>>
      %dma_wait3A_377 = tpu.memref_squeeze %dma_wait3A_376 : memref<1x1x80x128xi32, #tpu.memory_space<hbm>> -> memref<80x128xi32, #tpu.memory_space<hbm>>
      tpu.wait_dma2 semaphore(%run_scoped3A : memref<!tpu.dma_semaphore, #tpu.memory_space<semaphore_mem>>) src(%dma_wait3A_377 : memref<80x128xi32, #tpu.memory_space<hbm>>) dst(%arg6 : memref<80x128xi32, #tpu.memory_space<vmem>>)
      tpu.yield
    }) : () -> ()
    "tpu.region"() ({
      %run_scoped3A = tpu.sem_alloc : memref<!tpu.dma_semaphore, #tpu.memory_space<semaphore_mem>>
      %dma_start3A_362 = arith.constant 0 : i32
      %dma_start3A_363 = arith.constant 0 : i32
      %dma_start3A_364 = tpu.memref_slice %arg3[%arg1, %dma_start3A_362, %dma_start3A_363] : memref<16x160x128xi32, #tpu.memory_space<hbm>> -> memref<1x80x128xi32, #tpu.memory_space<hbm>>
      %dma_start3A_365 = tpu.memref_squeeze %dma_start3A_364 : memref<1x80x128xi32, #tpu.memory_space<hbm>> -> memref<80x128xi32, #tpu.memory_space<hbm>>
      %dma_start3A_366 = arith.constant 0 : i32
      %dma_start3A_367 = arith.constant 0 : i32
      %dma_start3A_368 = tpu.memref_slice %arg3[%arg1, %dma_start3A_366, %dma_start3A_367] : memref<16x160x128xi32, #tpu.memory_space<hbm>> -> memref<1x80x128xi32, #tpu.memory_space<hbm>>
      %dma_start3A_369 = tpu.memref_squeeze %dma_start3A_368 : memref<1x80x128xi32, #tpu.memory_space<hbm>> -> memref<80x128xi32, #tpu.memory_space<hbm>>
      tpu.enqueue_dma source(%dma_start3A_369 : memref<80x128xi32, #tpu.memory_space<hbm>>) target(%arg7 : memref<80x128xi32, #tpu.memory_space<vmem>>) target_semaphore(%run_scoped3A : memref<!tpu.dma_semaphore, #tpu.memory_space<semaphore_mem>>)
      %dma_wait3A_370 = arith.constant 0 : i32
      %dma_wait3A_371 = arith.constant 0 : i32
      %dma_wait3A_372 = tpu.memref_slice %arg3[%arg1, %dma_wait3A_370, %dma_wait3A_371] : memref<16x160x128xi32, #tpu.memory_space<hbm>> -> memref<1x80x128xi32, #tpu.memory_space<hbm>>
      %dma_wait3A_373 = tpu.memref_squeeze %dma_wait3A_372 : memref<1x80x128xi32, #tpu.memory_space<hbm>> -> memref<80x128xi32, #tpu.memory_space<hbm>>
      %dma_wait3A_374 = arith.constant 0 : i32
      %dma_wait3A_375 = arith.constant 0 : i32
      %dma_wait3A_376 = tpu.memref_slice %arg3[%arg1, %dma_wait3A_374, %dma_wait3A_375] : memref<16x160x128xi32, #tpu.memory_space<hbm>> -> memref<1x80x128xi32, #tpu.memory_space<hbm>>
      %dma_wait3A_377 = tpu.memref_squeeze %dma_wait3A_376 : memref<1x80x128xi32, #tpu.memory_space<hbm>> -> memref<80x128xi32, #tpu.memory_space<hbm>>
      tpu.wait_dma2 semaphore(%run_scoped3A : memref<!tpu.dma_semaphore, #tpu.memory_space<semaphore_mem>>) src(%dma_wait3A_377 : memref<80x128xi32, #tpu.memory_space<hbm>>) dst(%arg7 : memref<80x128xi32, #tpu.memory_space<vmem>>)
      tpu.yield
    }) : () -> ()
    %dma_start3A = arith.constant 0 : i32
    %dma_start3A_25 = arith.constant 0 : i32
    %dma_start3A_26 = arith.constant 0 : i32
    %dma_start3A_27 = tpu.memref_slice %arg6[%dma_start3A, %dma_start3A_26] : memref<80x128xi32, #tpu.memory_space<vmem>> -> memref<1x128xi32, #tpu.memory_space<vmem>>
    %dma_start3A_28 = tpu.memref_squeeze %dma_start3A_27 : memref<1x128xi32, #tpu.memory_space<vmem>> -> memref<128xi32, #tpu.memory_space<vmem>>
    %dma_start3A_29 = arith.constant 0 : i32
    %dma_start3A_30 = arith.constant 0 : i32
    %dma_start3A_31 = tpu.memref_slice %arg4[%dma_start3A_29, %dma_start3A_30] : memref<20480x64xf32, #tpu.memory_space<hbm>> -> memref<20480x64xf32, #tpu.memory_space<hbm>>
    %dma_start3A_32 = tpu.memref_slice %arg13[%dma_start3A_25] : memref<4x!tpu.dma_semaphore, #tpu.memory_space<semaphore_mem>> -> memref<1x!tpu.dma_semaphore, #tpu.memory_space<semaphore_mem>>
    %dma_start3A_33 = tpu.memref_squeeze %dma_start3A_32 : memref<1x!tpu.dma_semaphore, #tpu.memory_space<semaphore_mem>> -> memref<!tpu.dma_semaphore, #tpu.memory_space<semaphore_mem>>
    tpu.enqueue_indirect_dma source(%dma_start3A_31 : memref<20480x64xf32, #tpu.memory_space<hbm>>) target(%arg8 : memref<128x64xf32, #tpu.memory_space<vmem>>) offsets(%dma_start3A_28 : memref<128xi32, #tpu.memory_space<vmem>>) semaphore(%dma_start3A_33 : memref<!tpu.dma_semaphore, #tpu.memory_space<semaphore_mem>>)
    %dma_start3A_34 = arith.constant 1 : i32
    %dma_start3A_35 = arith.constant 1 : i32
    %dma_start3A_36 = arith.constant 0 : i32
    %dma_start3A_37 = tpu.memref_slice %arg6[%dma_start3A_34, %dma_start3A_36] : memref<80x128xi32, #tpu.memory_space<vmem>> -> memref<1x128xi32, #tpu.memory_space<vmem>>
    %dma_start3A_38 = tpu.memref_squeeze %dma_start3A_37 : memref<1x128xi32, #tpu.memory_space<vmem>> -> memref<128xi32, #tpu.memory_space<vmem>>
    %dma_start3A_39 = arith.constant 0 : i32
    %dma_start3A_40 = arith.constant 0 : i32
    %dma_start3A_41 = tpu.memref_slice %arg4[%dma_start3A_39, %dma_start3A_40] : memref<20480x64xf32, #tpu.memory_space<hbm>> -> memref<20480x64xf32, #tpu.memory_space<hbm>>
    %dma_start3A_42 = tpu.memref_slice %arg13[%dma_start3A_35] : memref<4x!tpu.dma_semaphore, #tpu.memory_space<semaphore_mem>> -> memref<1x!tpu.dma_semaphore, #tpu.memory_space<semaphore_mem>>
    %dma_start3A_43 = tpu.memref_squeeze %dma_start3A_42 : memref<1x!tpu.dma_semaphore, #tpu.memory_space<semaphore_mem>> -> memref<!tpu.dma_semaphore, #tpu.memory_space<semaphore_mem>>
    tpu.enqueue_indirect_dma source(%dma_start3A_41 : memref<20480x64xf32, #tpu.memory_space<hbm>>) target(%arg9 : memref<128x64xf32, #tpu.memory_space<vmem>>) offsets(%dma_start3A_38 : memref<128xi32, #tpu.memory_space<vmem>>) semaphore(%dma_start3A_43 : memref<!tpu.dma_semaphore, #tpu.memory_space<semaphore_mem>>)
    %dma_start3A_44 = arith.constant 2 : i32
    %dma_start3A_45 = arith.constant 2 : i32
    %dma_start3A_46 = arith.constant 0 : i32
    %dma_start3A_47 = tpu.memref_slice %arg6[%dma_start3A_44, %dma_start3A_46] : memref<80x128xi32, #tpu.memory_space<vmem>> -> memref<1x128xi32, #tpu.memory_space<vmem>>
    %dma_start3A_48 = tpu.memref_squeeze %dma_start3A_47 : memref<1x128xi32, #tpu.memory_space<vmem>> -> memref<128xi32, #tpu.memory_space<vmem>>
    %dma_start3A_49 = arith.constant 0 : i32
    %dma_start3A_50 = arith.constant 0 : i32
    %dma_start3A_51 = tpu.memref_slice %arg4[%dma_start3A_49, %dma_start3A_50] : memref<20480x64xf32, #tpu.memory_space<hbm>> -> memref<20480x64xf32, #tpu.memory_space<hbm>>
    %dma_start3A_52 = tpu.memref_slice %arg13[%dma_start3A_45] : memref<4x!tpu.dma_semaphore, #tpu.memory_space<semaphore_mem>> -> memref<1x!tpu.dma_semaphore, #tpu.memory_space<semaphore_mem>>
    %dma_start3A_53 = tpu.memref_squeeze %dma_start3A_52 : memref<1x!tpu.dma_semaphore, #tpu.memory_space<semaphore_mem>> -> memref<!tpu.dma_semaphore, #tpu.memory_space<semaphore_mem>>
    tpu.enqueue_indirect_dma source(%dma_start3A_51 : memref<20480x64xf32, #tpu.memory_space<hbm>>) target(%arg10 : memref<128x64xf32, #tpu.memory_space<vmem>>) offsets(%dma_start3A_48 : memref<128xi32, #tpu.memory_space<vmem>>) semaphore(%dma_start3A_53 : memref<!tpu.dma_semaphore, #tpu.memory_space<semaphore_mem>>)
    %dma_start3A_54 = arith.constant 3 : i32
    %dma_start3A_55 = arith.constant 3 : i32
    %dma_start3A_56 = arith.constant 0 : i32
    %dma_start3A_57 = tpu.memref_slice %arg6[%dma_start3A_54, %dma_start3A_56] : memref<80x128xi32, #tpu.memory_space<vmem>> -> memref<1x128xi32, #tpu.memory_space<vmem>>
    %dma_start3A_58 = tpu.memref_squeeze %dma_start3A_57 : memref<1x128xi32, #tpu.memory_space<vmem>> -> memref<128xi32, #tpu.memory_space<vmem>>
    %dma_start3A_59 = arith.constant 0 : i32
    %dma_start3A_60 = arith.constant 0 : i32
    %dma_start3A_61 = tpu.memref_slice %arg4[%dma_start3A_59, %dma_start3A_60] : memref<20480x64xf32, #tpu.memory_space<hbm>> -> memref<20480x64xf32, #tpu.memory_space<hbm>>
    %dma_start3A_62 = tpu.memref_slice %arg13[%dma_start3A_55] : memref<4x!tpu.dma_semaphore, #tpu.memory_space<semaphore_mem>> -> memref<1x!tpu.dma_semaphore, #tpu.memory_space<semaphore_mem>>
    %dma_start3A_63 = tpu.memref_squeeze %dma_start3A_62 : memref<1x!tpu.dma_semaphore, #tpu.memory_space<semaphore_mem>> -> memref<!tpu.dma_semaphore, #tpu.memory_space<semaphore_mem>>
    tpu.enqueue_indirect_dma source(%dma_start3A_61 : memref<20480x64xf32, #tpu.memory_space<hbm>>) target(%arg11 : memref<128x64xf32, #tpu.memory_space<vmem>>) offsets(%dma_start3A_58 : memref<128xi32, #tpu.memory_space<vmem>>) semaphore(%dma_start3A_63 : memref<!tpu.dma_semaphore, #tpu.memory_space<semaphore_mem>>)
    %scan3A_64 = arith.constant 0 : i32
    %scan3A_65 = arith.constant 0 : i32
    %scan3A_66 = arith.constant 19 : i32
    %scan3A_67 = arith.addi %scan3A_65, %scan3A_66 : i32
    %scan3A_68 = arith.constant 1 : i32
    %scan3A_69 = scf.for %scan3A_362 = %scan3A_65 to %scan3A_67 step %scan3A_68 iter_args(%scan3A_363 = %scan3A_64) -> (i32)  : i32 {
      %mul3A_364 = arith.constant 4 : i32
      %mul3A_365 = arith.muli %mul3A_364, %scan3A_362 : i32
      %dma_wait3A_366 = arith.constant 0 : i32
      %dma_wait3A_367 = arith.constant 0 : i32
      %dma_wait3A_368 = arith.constant 0 : i32
      %dma_wait3A_369 = tpu.memref_slice %arg6[%dma_wait3A_366, %dma_wait3A_368] : memref<80x128xi32, #tpu.memory_space<vmem>> -> memref<1x128xi32, #tpu.memory_space<vmem>>
      %dma_wait3A_370 = tpu.memref_squeeze %dma_wait3A_369 : memref<1x128xi32, #tpu.memory_space<vmem>> -> memref<128xi32, #tpu.memory_space<vmem>>
      %dma_wait3A_371 = arith.constant 0 : i32
      %dma_wait3A_372 = arith.constant 0 : i32
      %dma_wait3A_373 = tpu.memref_slice %arg4[%dma_wait3A_371, %dma_wait3A_372] : memref<20480x64xf32, #tpu.memory_space<hbm>> -> memref<20480x64xf32, #tpu.memory_space<hbm>>
      %dma_wait3A_374 = tpu.memref_slice %arg13[%dma_wait3A_367] : memref<4x!tpu.dma_semaphore, #tpu.memory_space<semaphore_mem>> -> memref<1x!tpu.dma_semaphore, #tpu.memory_space<semaphore_mem>>
      %dma_wait3A_375 = tpu.memref_squeeze %dma_wait3A_374 : memref<1x!tpu.dma_semaphore, #tpu.memory_space<semaphore_mem>> -> memref<!tpu.dma_semaphore, #tpu.memory_space<semaphore_mem>>
      tpu.wait_indirect_dma semaphore(%dma_wait3A_375 : memref<!tpu.dma_semaphore, #tpu.memory_space<semaphore_mem>>) src(%dma_wait3A_373 : memref<20480x64xf32, #tpu.memory_space<hbm>>) dst(%arg8 : memref<128x64xf32, #tpu.memory_space<vmem>>)
      %add3A_376 = arith.constant 0 : i32
      %add3A_377 = arith.addi %mul3A_365, %add3A_376 : i32
      %dma_start3A_378 = arith.constant 0 : i32
      %dma_start3A_379 = arith.constant 0 : i32
      %dma_start3A_380 = tpu.memref_slice %arg7[%add3A_377, %dma_start3A_379] : memref<80x128xi32, #tpu.memory_space<vmem>> -> memref<1x128xi32, #tpu.memory_space<vmem>>
      %dma_start3A_381 = tpu.memref_squeeze %dma_start3A_380 : memref<1x128xi32, #tpu.memory_space<vmem>> -> memref<128xi32, #tpu.memory_space<vmem>>
      %dma_start3A_382 = arith.constant 0 : i32
      %dma_start3A_383 = arith.constant 0 : i32
      %dma_start3A_384 = tpu.memref_slice %arg12[%dma_start3A_382, %dma_start3A_383] : memref<10240x64xf32, #tpu.memory_space<vmem_shared>> -> memref<10240x64xf32, #tpu.memory_space<vmem_shared>>
      %dma_start3A_385 = tpu.memref_slice %arg14[%dma_start3A_378] : memref<4x!tpu.dma_semaphore, #tpu.memory_space<semaphore_mem>> -> memref<1x!tpu.dma_semaphore, #tpu.memory_space<semaphore_mem>>
      %dma_start3A_386 = tpu.memref_squeeze %dma_start3A_385 : memref<1x!tpu.dma_semaphore, #tpu.memory_space<semaphore_mem>> -> memref<!tpu.dma_semaphore, #tpu.memory_space<semaphore_mem>>
      tpu.enqueue_indirect_dma source(%arg8 : memref<128x64xf32, #tpu.memory_space<vmem>>) target(%dma_start3A_384 : memref<10240x64xf32, #tpu.memory_space<vmem_shared>>) offsets(%dma_start3A_381 : memref<128xi32, #tpu.memory_space<vmem>>) semaphore(%dma_start3A_386 : memref<!tpu.dma_semaphore, #tpu.memory_space<semaphore_mem>>) {add = true}
      %dma_wait3A_387 = arith.constant 0 : i32
      %dma_wait3A_388 = arith.constant 1 : i32
      %dma_wait3A_389 = arith.constant 0 : i32
      %dma_wait3A_390 = tpu.memref_slice %arg6[%dma_wait3A_387, %dma_wait3A_389] : memref<80x128xi32, #tpu.memory_space<vmem>> -> memref<1x128xi32, #tpu.memory_space<vmem>>
      %dma_wait3A_391 = tpu.memref_squeeze %dma_wait3A_390 : memref<1x128xi32, #tpu.memory_space<vmem>> -> memref<128xi32, #tpu.memory_space<vmem>>
      %dma_wait3A_392 = arith.constant 0 : i32
      %dma_wait3A_393 = arith.constant 0 : i32
      %dma_wait3A_394 = tpu.memref_slice %arg4[%dma_wait3A_392, %dma_wait3A_393] : memref<20480x64xf32, #tpu.memory_space<hbm>> -> memref<20480x64xf32, #tpu.memory_space<hbm>>
      %dma_wait3A_395 = tpu.memref_slice %arg13[%dma_wait3A_388] : memref<4x!tpu.dma_semaphore, #tpu.memory_space<semaphore_mem>> -> memref<1x!tpu.dma_semaphore, #tpu.memory_space<semaphore_mem>>
      %dma_wait3A_396 = tpu.memref_squeeze %dma_wait3A_395 : memref<1x!tpu.dma_semaphore, #tpu.memory_space<semaphore_mem>> -> memref<!tpu.dma_semaphore, #tpu.memory_space<semaphore_mem>>
      tpu.wait_indirect_dma semaphore(%dma_wait3A_396 : memref<!tpu.dma_semaphore, #tpu.memory_space<semaphore_mem>>) src(%dma_wait3A_394 : memref<20480x64xf32, #tpu.memory_space<hbm>>) dst(%arg9 : memref<128x64xf32, #tpu.memory_space<vmem>>)
      %add3A_397 = arith.constant 1 : i32
      %add3A_398 = arith.addi %mul3A_365, %add3A_397 : i32
      %dma_start3A_399 = arith.constant 1 : i32
      %dma_start3A_400 = arith.constant 0 : i32
      %dma_start3A_401 = tpu.memref_slice %arg7[%add3A_398, %dma_start3A_400] : memref<80x128xi32, #tpu.memory_space<vmem>> -> memref<1x128xi32, #tpu.memory_space<vmem>>
      %dma_start3A_402 = tpu.memref_squeeze %dma_start3A_401 : memref<1x128xi32, #tpu.memory_space<vmem>> -> memref<128xi32, #tpu.memory_space<vmem>>
      %dma_start3A_403 = arith.constant 0 : i32
      %dma_start3A_404 = arith.constant 0 : i32
      %dma_start3A_405 = tpu.memref_slice %arg12[%dma_start3A_403, %dma_start3A_404] : memref<10240x64xf32, #tpu.memory_space<vmem_shared>> -> memref<10240x64xf32, #tpu.memory_space<vmem_shared>>
      %dma_start3A_406 = tpu.memref_slice %arg14[%dma_start3A_399] : memref<4x!tpu.dma_semaphore, #tpu.memory_space<semaphore_mem>> -> memref<1x!tpu.dma_semaphore, #tpu.memory_space<semaphore_mem>>
      %dma_start3A_407 = tpu.memref_squeeze %dma_start3A_406 : memref<1x!tpu.dma_semaphore, #tpu.memory_space<semaphore_mem>> -> memref<!tpu.dma_semaphore, #tpu.memory_space<semaphore_mem>>
      tpu.enqueue_indirect_dma source(%arg9 : memref<128x64xf32, #tpu.memory_space<vmem>>) target(%dma_start3A_405 : memref<10240x64xf32, #tpu.memory_space<vmem_shared>>) offsets(%dma_start3A_402 : memref<128xi32, #tpu.memory_space<vmem>>) semaphore(%dma_start3A_407 : memref<!tpu.dma_semaphore, #tpu.memory_space<semaphore_mem>>) {add = true}
      %dma_wait3A_408 = arith.constant 0 : i32
      %dma_wait3A_409 = arith.constant 2 : i32
      %dma_wait3A_410 = arith.constant 0 : i32
      %dma_wait3A_411 = tpu.memref_slice %arg6[%dma_wait3A_408, %dma_wait3A_410] : memref<80x128xi32, #tpu.memory_space<vmem>> -> memref<1x128xi32, #tpu.memory_space<vmem>>
      %dma_wait3A_412 = tpu.memref_squeeze %dma_wait3A_411 : memref<1x128xi32, #tpu.memory_space<vmem>> -> memref<128xi32, #tpu.memory_space<vmem>>
      %dma_wait3A_413 = arith.constant 0 : i32
      %dma_wait3A_414 = arith.constant 0 : i32
      %dma_wait3A_415 = tpu.memref_slice %arg4[%dma_wait3A_413, %dma_wait3A_414] : memref<20480x64xf32, #tpu.memory_space<hbm>> -> memref<20480x64xf32, #tpu.memory_space<hbm>>
      %dma_wait3A_416 = tpu.memref_slice %arg13[%dma_wait3A_409] : memref<4x!tpu.dma_semaphore, #tpu.memory_space<semaphore_mem>> -> memref<1x!tpu.dma_semaphore, #tpu.memory_space<semaphore_mem>>
      %dma_wait3A_417 = tpu.memref_squeeze %dma_wait3A_416 : memref<1x!tpu.dma_semaphore, #tpu.memory_space<semaphore_mem>> -> memref<!tpu.dma_semaphore, #tpu.memory_space<semaphore_mem>>
      tpu.wait_indirect_dma semaphore(%dma_wait3A_417 : memref<!tpu.dma_semaphore, #tpu.memory_space<semaphore_mem>>) src(%dma_wait3A_415 : memref<20480x64xf32, #tpu.memory_space<hbm>>) dst(%arg10 : memref<128x64xf32, #tpu.memory_space<vmem>>)
      %add3A_418 = arith.constant 2 : i32
      %add3A_419 = arith.addi %mul3A_365, %add3A_418 : i32
      %dma_start3A_420 = arith.constant 2 : i32
      %dma_start3A_421 = arith.constant 0 : i32
      %dma_start3A_422 = tpu.memref_slice %arg7[%add3A_419, %dma_start3A_421] : memref<80x128xi32, #tpu.memory_space<vmem>> -> memref<1x128xi32, #tpu.memory_space<vmem>>
      %dma_start3A_423 = tpu.memref_squeeze %dma_start3A_422 : memref<1x128xi32, #tpu.memory_space<vmem>> -> memref<128xi32, #tpu.memory_space<vmem>>
      %dma_start3A_424 = arith.constant 0 : i32
      %dma_start3A_425 = arith.constant 0 : i32
      %dma_start3A_426 = tpu.memref_slice %arg12[%dma_start3A_424, %dma_start3A_425] : memref<10240x64xf32, #tpu.memory_space<vmem_shared>> -> memref<10240x64xf32, #tpu.memory_space<vmem_shared>>
      %dma_start3A_427 = tpu.memref_slice %arg14[%dma_start3A_420] : memref<4x!tpu.dma_semaphore, #tpu.memory_space<semaphore_mem>> -> memref<1x!tpu.dma_semaphore, #tpu.memory_space<semaphore_mem>>
      %dma_start3A_428 = tpu.memref_squeeze %dma_start3A_427 : memref<1x!tpu.dma_semaphore, #tpu.memory_space<semaphore_mem>> -> memref<!tpu.dma_semaphore, #tpu.memory_space<semaphore_mem>>
      tpu.enqueue_indirect_dma source(%arg10 : memref<128x64xf32, #tpu.memory_space<vmem>>) target(%dma_start3A_426 : memref<10240x64xf32, #tpu.memory_space<vmem_shared>>) offsets(%dma_start3A_423 : memref<128xi32, #tpu.memory_space<vmem>>) semaphore(%dma_start3A_428 : memref<!tpu.dma_semaphore, #tpu.memory_space<semaphore_mem>>) {add = true}
      %dma_wait3A_429 = arith.constant 0 : i32
      %dma_wait3A_430 = arith.constant 3 : i32
      %dma_wait3A_431 = arith.constant 0 : i32
      %dma_wait3A_432 = tpu.memref_slice %arg6[%dma_wait3A_429, %dma_wait3A_431] : memref<80x128xi32, #tpu.memory_space<vmem>> -> memref<1x128xi32, #tpu.memory_space<vmem>>
      %dma_wait3A_433 = tpu.memref_squeeze %dma_wait3A_432 : memref<1x128xi32, #tpu.memory_space<vmem>> -> memref<128xi32, #tpu.memory_space<vmem>>
      %dma_wait3A_434 = arith.constant 0 : i32
      %dma_wait3A_435 = arith.constant 0 : i32
      %dma_wait3A_436 = tpu.memref_slice %arg4[%dma_wait3A_434, %dma_wait3A_435] : memref<20480x64xf32, #tpu.memory_space<hbm>> -> memref<20480x64xf32, #tpu.memory_space<hbm>>
      %dma_wait3A_437 = tpu.memref_slice %arg13[%dma_wait3A_430] : memref<4x!tpu.dma_semaphore, #tpu.memory_space<semaphore_mem>> -> memref<1x!tpu.dma_semaphore, #tpu.memory_space<semaphore_mem>>
      %dma_wait3A_438 = tpu.memref_squeeze %dma_wait3A_437 : memref<1x!tpu.dma_semaphore, #tpu.memory_space<semaphore_mem>> -> memref<!tpu.dma_semaphore, #tpu.memory_space<semaphore_mem>>
      tpu.wait_indirect_dma semaphore(%dma_wait3A_438 : memref<!tpu.dma_semaphore, #tpu.memory_space<semaphore_mem>>) src(%dma_wait3A_436 : memref<20480x64xf32, #tpu.memory_space<hbm>>) dst(%arg11 : memref<128x64xf32, #tpu.memory_space<vmem>>)
      %add3A_439 = arith.constant 3 : i32
      %add3A_440 = arith.addi %mul3A_365, %add3A_439 : i32
      %dma_start3A_441 = arith.constant 3 : i32
      %dma_start3A_442 = arith.constant 0 : i32
      %dma_start3A_443 = tpu.memref_slice %arg7[%add3A_440, %dma_start3A_442] : memref<80x128xi32, #tpu.memory_space<vmem>> -> memref<1x128xi32, #tpu.memory_space<vmem>>
      %dma_start3A_444 = tpu.memref_squeeze %dma_start3A_443 : memref<1x128xi32, #tpu.memory_space<vmem>> -> memref<128xi32, #tpu.memory_space<vmem>>
      %dma_start3A_445 = arith.constant 0 : i32
      %dma_start3A_446 = arith.constant 0 : i32
      %dma_start3A_447 = tpu.memref_slice %arg12[%dma_start3A_445, %dma_start3A_446] : memref<10240x64xf32, #tpu.memory_space<vmem_shared>> -> memref<10240x64xf32, #tpu.memory_space<vmem_shared>>
      %dma_start3A_448 = tpu.memref_slice %arg14[%dma_start3A_441] : memref<4x!tpu.dma_semaphore, #tpu.memory_space<semaphore_mem>> -> memref<1x!tpu.dma_semaphore, #tpu.memory_space<semaphore_mem>>
      %dma_start3A_449 = tpu.memref_squeeze %dma_start3A_448 : memref<1x!tpu.dma_semaphore, #tpu.memory_space<semaphore_mem>> -> memref<!tpu.dma_semaphore, #tpu.memory_space<semaphore_mem>>
      tpu.enqueue_indirect_dma source(%arg11 : memref<128x64xf32, #tpu.memory_space<vmem>>) target(%dma_start3A_447 : memref<10240x64xf32, #tpu.memory_space<vmem_shared>>) offsets(%dma_start3A_444 : memref<128xi32, #tpu.memory_space<vmem>>) semaphore(%dma_start3A_449 : memref<!tpu.dma_semaphore, #tpu.memory_space<semaphore_mem>>) {add = true}
      %dma_wait3A_450 = arith.constant 0 : i32
      %dma_wait3A_451 = arith.constant 0 : i32
      %dma_wait3A_452 = arith.constant 0 : i32
      %dma_wait3A_453 = tpu.memref_slice %arg7[%dma_wait3A_450, %dma_wait3A_452] : memref<80x128xi32, #tpu.memory_space<vmem>> -> memref<1x128xi32, #tpu.memory_space<vmem>>
      %dma_wait3A_454 = tpu.memref_squeeze %dma_wait3A_453 : memref<1x128xi32, #tpu.memory_space<vmem>> -> memref<128xi32, #tpu.memory_space<vmem>>
      %dma_wait3A_455 = arith.constant 0 : i32
      %dma_wait3A_456 = arith.constant 0 : i32
      %dma_wait3A_457 = tpu.memref_slice %arg12[%dma_wait3A_455, %dma_wait3A_456] : memref<10240x64xf32, #tpu.memory_space<vmem_shared>> -> memref<10240x64xf32, #tpu.memory_space<vmem_shared>>
      %dma_wait3A_458 = tpu.memref_slice %arg14[%dma_wait3A_451] : memref<4x!tpu.dma_semaphore, #tpu.memory_space<semaphore_mem>> -> memref<1x!tpu.dma_semaphore, #tpu.memory_space<semaphore_mem>>
      %dma_wait3A_459 = tpu.memref_squeeze %dma_wait3A_458 : memref<1x!tpu.dma_semaphore, #tpu.memory_space<semaphore_mem>> -> memref<!tpu.dma_semaphore, #tpu.memory_space<semaphore_mem>>
      tpu.wait_indirect_dma semaphore(%dma_wait3A_459 : memref<!tpu.dma_semaphore, #tpu.memory_space<semaphore_mem>>) src(%arg8 : memref<128x64xf32, #tpu.memory_space<vmem>>) dst(%dma_wait3A_457 : memref<10240x64xf32, #tpu.memory_space<vmem_shared>>)
      %add3A_460 = arith.constant 4 : i32
      %add3A_461 = arith.addi %mul3A_365, %add3A_460 : i32
      %add3A_462 = arith.constant 0 : i32
      %add3A_463 = arith.addi %add3A_461, %add3A_462 : i32
      %dma_start3A_464 = arith.constant 0 : i32
      %dma_start3A_465 = arith.constant 0 : i32
      %dma_start3A_466 = tpu.memref_slice %arg6[%add3A_463, %dma_start3A_465] : memref<80x128xi32, #tpu.memory_space<vmem>> -> memref<1x128xi32, #tpu.memory_space<vmem>>
      %dma_start3A_467 = tpu.memref_squeeze %dma_start3A_466 : memref<1x128xi32, #tpu.memory_space<vmem>> -> memref<128xi32, #tpu.memory_space<vmem>>
      %dma_start3A_468 = arith.constant 0 : i32
      %dma_start3A_469 = arith.constant 0 : i32
      %dma_start3A_470 = tpu.memref_slice %arg4[%dma_start3A_468, %dma_start3A_469] : memref<20480x64xf32, #tpu.memory_space<hbm>> -> memref<20480x64xf32, #tpu.memory_space<hbm>>
      %dma_start3A_471 = tpu.memref_slice %arg13[%dma_start3A_464] : memref<4x!tpu.dma_semaphore, #tpu.memory_space<semaphore_mem>> -> memref<1x!tpu.dma_semaphore, #tpu.memory_space<semaphore_mem>>
      %dma_start3A_472 = tpu.memref_squeeze %dma_start3A_471 : memref<1x!tpu.dma_semaphore, #tpu.memory_space<semaphore_mem>> -> memref<!tpu.dma_semaphore, #tpu.memory_space<semaphore_mem>>
      tpu.enqueue_indirect_dma source(%dma_start3A_470 : memref<20480x64xf32, #tpu.memory_space<hbm>>) target(%arg8 : memref<128x64xf32, #tpu.memory_space<vmem>>) offsets(%dma_start3A_467 : memref<128xi32, #tpu.memory_space<vmem>>) semaphore(%dma_start3A_472 : memref<!tpu.dma_semaphore, #tpu.memory_space<semaphore_mem>>)
      %dma_wait3A_473 = arith.constant 0 : i32
      %dma_wait3A_474 = arith.constant 1 : i32
      %dma_wait3A_475 = arith.constant 0 : i32
      %dma_wait3A_476 = tpu.memref_slice %arg7[%dma_wait3A_473, %dma_wait3A_475] : memref<80x128xi32, #tpu.memory_space<vmem>> -> memref<1x128xi32, #tpu.memory_space<vmem>>
      %dma_wait3A_477 = tpu.memref_squeeze %dma_wait3A_476 : memref<1x128xi32, #tpu.memory_space<vmem>> -> memref<128xi32, #tpu.memory_space<vmem>>
      %dma_wait3A_478 = arith.constant 0 : i32
      %dma_wait3A_479 = arith.constant 0 : i32
      %dma_wait3A_480 = tpu.memref_slice %arg12[%dma_wait3A_478, %dma_wait3A_479] : memref<10240x64xf32, #tpu.memory_space<vmem_shared>> -> memref<10240x64xf32, #tpu.memory_space<vmem_shared>>
      %dma_wait3A_481 = tpu.memref_slice %arg14[%dma_wait3A_474] : memref<4x!tpu.dma_semaphore, #tpu.memory_space<semaphore_mem>> -> memref<1x!tpu.dma_semaphore, #tpu.memory_space<semaphore_mem>>
      %dma_wait3A_482 = tpu.memref_squeeze %dma_wait3A_481 : memref<1x!tpu.dma_semaphore, #tpu.memory_space<semaphore_mem>> -> memref<!tpu.dma_semaphore, #tpu.memory_space<semaphore_mem>>
      tpu.wait_indirect_dma semaphore(%dma_wait3A_482 : memref<!tpu.dma_semaphore, #tpu.memory_space<semaphore_mem>>) src(%arg9 : memref<128x64xf32, #tpu.memory_space<vmem>>) dst(%dma_wait3A_480 : memref<10240x64xf32, #tpu.memory_space<vmem_shared>>)
      %add3A_483 = arith.constant 4 : i32
      %add3A_484 = arith.addi %mul3A_365, %add3A_483 : i32
      %add3A_485 = arith.constant 1 : i32
      %add3A_486 = arith.addi %add3A_484, %add3A_485 : i32
      %dma_start3A_487 = arith.constant 1 : i32
      %dma_start3A_488 = arith.constant 0 : i32
      %dma_start3A_489 = tpu.memref_slice %arg6[%add3A_486, %dma_start3A_488] : memref<80x128xi32, #tpu.memory_space<vmem>> -> memref<1x128xi32, #tpu.memory_space<vmem>>
      %dma_start3A_490 = tpu.memref_squeeze %dma_start3A_489 : memref<1x128xi32, #tpu.memory_space<vmem>> -> memref<128xi32, #tpu.memory_space<vmem>>
      %dma_start3A_491 = arith.constant 0 : i32
      %dma_start3A_492 = arith.constant 0 : i32
      %dma_start3A_493 = tpu.memref_slice %arg4[%dma_start3A_491, %dma_start3A_492] : memref<20480x64xf32, #tpu.memory_space<hbm>> -> memref<20480x64xf32, #tpu.memory_space<hbm>>
      %dma_start3A_494 = tpu.memref_slice %arg13[%dma_start3A_487] : memref<4x!tpu.dma_semaphore, #tpu.memory_space<semaphore_mem>> -> memref<1x!tpu.dma_semaphore, #tpu.memory_space<semaphore_mem>>
      %dma_start3A_495 = tpu.memref_squeeze %dma_start3A_494 : memref<1x!tpu.dma_semaphore, #tpu.memory_space<semaphore_mem>> -> memref<!tpu.dma_semaphore, #tpu.memory_space<semaphore_mem>>
      tpu.enqueue_indirect_dma source(%dma_start3A_493 : memref<20480x64xf32, #tpu.memory_space<hbm>>) target(%arg9 : memref<128x64xf32, #tpu.memory_space<vmem>>) offsets(%dma_start3A_490 : memref<128xi32, #tpu.memory_space<vmem>>) semaphore(%dma_start3A_495 : memref<!tpu.dma_semaphore, #tpu.memory_space<semaphore_mem>>)
      %dma_wait3A_496 = arith.constant 0 : i32
      %dma_wait3A_497 = arith.constant 2 : i32
      %dma_wait3A_498 = arith.constant 0 : i32
      %dma_wait3A_499 = tpu.memref_slice %arg7[%dma_wait3A_496, %dma_wait3A_498] : memref<80x128xi32, #tpu.memory_space<vmem>> -> memref<1x128xi32, #tpu.memory_space<vmem>>
      %dma_wait3A_500 = tpu.memref_squeeze %dma_wait3A_499 : memref<1x128xi32, #tpu.memory_space<vmem>> -> memref<128xi32, #tpu.memory_space<vmem>>
      %dma_wait3A_501 = arith.constant 0 : i32
      %dma_wait3A_502 = arith.constant 0 : i32
      %dma_wait3A_503 = tpu.memref_slice %arg12[%dma_wait3A_501, %dma_wait3A_502] : memref<10240x64xf32, #tpu.memory_space<vmem_shared>> -> memref<10240x64xf32, #tpu.memory_space<vmem_shared>>
      %dma_wait3A_504 = tpu.memref_slice %arg14[%dma_wait3A_497] : memref<4x!tpu.dma_semaphore, #tpu.memory_space<semaphore_mem>> -> memref<1x!tpu.dma_semaphore, #tpu.memory_space<semaphore_mem>>
      %dma_wait3A_505 = tpu.memref_squeeze %dma_wait3A_504 : memref<1x!tpu.dma_semaphore, #tpu.memory_space<semaphore_mem>> -> memref<!tpu.dma_semaphore, #tpu.memory_space<semaphore_mem>>
      tpu.wait_indirect_dma semaphore(%dma_wait3A_505 : memref<!tpu.dma_semaphore, #tpu.memory_space<semaphore_mem>>) src(%arg10 : memref<128x64xf32, #tpu.memory_space<vmem>>) dst(%dma_wait3A_503 : memref<10240x64xf32, #tpu.memory_space<vmem_shared>>)
      %add3A_506 = arith.constant 4 : i32
      %add3A_507 = arith.addi %mul3A_365, %add3A_506 : i32
      %add3A_508 = arith.constant 2 : i32
      %add3A_509 = arith.addi %add3A_507, %add3A_508 : i32
      %dma_start3A_510 = arith.constant 2 : i32
      %dma_start3A_511 = arith.constant 0 : i32
      %dma_start3A_512 = tpu.memref_slice %arg6[%add3A_509, %dma_start3A_511] : memref<80x128xi32, #tpu.memory_space<vmem>> -> memref<1x128xi32, #tpu.memory_space<vmem>>
      %dma_start3A_513 = tpu.memref_squeeze %dma_start3A_512 : memref<1x128xi32, #tpu.memory_space<vmem>> -> memref<128xi32, #tpu.memory_space<vmem>>
      %dma_start3A_514 = arith.constant 0 : i32
      %dma_start3A_515 = arith.constant 0 : i32
      %dma_start3A_516 = tpu.memref_slice %arg4[%dma_start3A_514, %dma_start3A_515] : memref<20480x64xf32, #tpu.memory_space<hbm>> -> memref<20480x64xf32, #tpu.memory_space<hbm>>
      %dma_start3A_517 = tpu.memref_slice %arg13[%dma_start3A_510] : memref<4x!tpu.dma_semaphore, #tpu.memory_space<semaphore_mem>> -> memref<1x!tpu.dma_semaphore, #tpu.memory_space<semaphore_mem>>
      %dma_start3A_518 = tpu.memref_squeeze %dma_start3A_517 : memref<1x!tpu.dma_semaphore, #tpu.memory_space<semaphore_mem>> -> memref<!tpu.dma_semaphore, #tpu.memory_space<semaphore_mem>>
      tpu.enqueue_indirect_dma source(%dma_start3A_516 : memref<20480x64xf32, #tpu.memory_space<hbm>>) target(%arg10 : memref<128x64xf32, #tpu.memory_space<vmem>>) offsets(%dma_start3A_513 : memref<128xi32, #tpu.memory_space<vmem>>) semaphore(%dma_start3A_518 : memref<!tpu.dma_semaphore, #tpu.memory_space<semaphore_mem>>)
      %dma_wait3A_519 = arith.constant 0 : i32
      %dma_wait3A_520 = arith.constant 3 : i32
      %dma_wait3A_521 = arith.constant 0 : i32
      %dma_wait3A_522 = tpu.memref_slice %arg7[%dma_wait3A_519, %dma_wait3A_521] : memref<80x128xi32, #tpu.memory_space<vmem>> -> memref<1x128xi32, #tpu.memory_space<vmem>>
      %dma_wait3A_523 = tpu.memref_squeeze %dma_wait3A_522 : memref<1x128xi32, #tpu.memory_space<vmem>> -> memref<128xi32, #tpu.memory_space<vmem>>
      %dma_wait3A_524 = arith.constant 0 : i32
      %dma_wait3A_525 = arith.constant 0 : i32
      %dma_wait3A_526 = tpu.memref_slice %arg12[%dma_wait3A_524, %dma_wait3A_525] : memref<10240x64xf32, #tpu.memory_space<vmem_shared>> -> memref<10240x64xf32, #tpu.memory_space<vmem_shared>>
      %dma_wait3A_527 = tpu.memref_slice %arg14[%dma_wait3A_520] : memref<4x!tpu.dma_semaphore, #tpu.memory_space<semaphore_mem>> -> memref<1x!tpu.dma_semaphore, #tpu.memory_space<semaphore_mem>>
      %dma_wait3A_528 = tpu.memref_squeeze %dma_wait3A_527 : memref<1x!tpu.dma_semaphore, #tpu.memory_space<semaphore_mem>> -> memref<!tpu.dma_semaphore, #tpu.memory_space<semaphore_mem>>
      tpu.wait_indirect_dma semaphore(%dma_wait3A_528 : memref<!tpu.dma_semaphore, #tpu.memory_space<semaphore_mem>>) src(%arg11 : memref<128x64xf32, #tpu.memory_space<vmem>>) dst(%dma_wait3A_526 : memref<10240x64xf32, #tpu.memory_space<vmem_shared>>)
      %add3A_529 = arith.constant 4 : i32
      %add3A_530 = arith.addi %mul3A_365, %add3A_529 : i32
      %add3A_531 = arith.constant 3 : i32
      %add3A_532 = arith.addi %add3A_530, %add3A_531 : i32
      %dma_start3A_533 = arith.constant 3 : i32
      %dma_start3A_534 = arith.constant 0 : i32
      %dma_start3A_535 = tpu.memref_slice %arg6[%add3A_532, %dma_start3A_534] : memref<80x128xi32, #tpu.memory_space<vmem>> -> memref<1x128xi32, #tpu.memory_space<vmem>>
      %dma_start3A_536 = tpu.memref_squeeze %dma_start3A_535 : memref<1x128xi32, #tpu.memory_space<vmem>> -> memref<128xi32, #tpu.memory_space<vmem>>
      %dma_start3A_537 = arith.constant 0 : i32
      %dma_start3A_538 = arith.constant 0 : i32
      %dma_start3A_539 = tpu.memref_slice %arg4[%dma_start3A_537, %dma_start3A_538] : memref<20480x64xf32, #tpu.memory_space<hbm>> -> memref<20480x64xf32, #tpu.memory_space<hbm>>
      %dma_start3A_540 = tpu.memref_slice %arg13[%dma_start3A_533] : memref<4x!tpu.dma_semaphore, #tpu.memory_space<semaphore_mem>> -> memref<1x!tpu.dma_semaphore, #tpu.memory_space<semaphore_mem>>
      %dma_start3A_541 = tpu.memref_squeeze %dma_start3A_540 : memref<1x!tpu.dma_semaphore, #tpu.memory_space<semaphore_mem>> -> memref<!tpu.dma_semaphore, #tpu.memory_space<semaphore_mem>>
      tpu.enqueue_indirect_dma source(%dma_start3A_539 : memref<20480x64xf32, #tpu.memory_space<hbm>>) target(%arg11 : memref<128x64xf32, #tpu.memory_space<vmem>>) offsets(%dma_start3A_536 : memref<128xi32, #tpu.memory_space<vmem>>) semaphore(%dma_start3A_541 : memref<!tpu.dma_semaphore, #tpu.memory_space<semaphore_mem>>)
      %scan3A_542 = arith.constant 0 : i32
      scf.yield %scan3A_542 : i32
    }
    %scan3A_70 = arith.constant 19 : i32
    %dma_wait3A = arith.constant 0 : i32
    %dma_wait3A_71 = arith.constant 0 : i32
    %dma_wait3A_72 = arith.constant 0 : i32
    %dma_wait3A_73 = tpu.memref_slice %arg6[%dma_wait3A, %dma_wait3A_72] : memref<80x128xi32, #tpu.memory_space<vmem>> -> memref<1x128xi32, #tpu.memory_space<vmem>>
    %dma_wait3A_74 = tpu.memref_squeeze %dma_wait3A_73 : memref<1x128xi32, #tpu.memory_space<vmem>> -> memref<128xi32, #tpu.memory_space<vmem>>
    %dma_wait3A_75 = arith.constant 0 : i32
    %dma_wait3A_76 = arith.constant 0 : i32
    %dma_wait3A_77 = tpu.memref_slice %arg4[%dma_wait3A_75, %dma_wait3A_76] : memref<20480x64xf32, #tpu.memory_space<hbm>> -> memref<20480x64xf32, #tpu.memory_space<hbm>>
    %dma_wait3A_78 = tpu.memref_slice %arg13[%dma_wait3A_71] : memref<4x!tpu.dma_semaphore, #tpu.memory_space<semaphore_mem>> -> memref<1x!tpu.dma_semaphore, #tpu.memory_space<semaphore_mem>>
    %dma_wait3A_79 = tpu.memref_squeeze %dma_wait3A_78 : memref<1x!tpu.dma_semaphore, #tpu.memory_space<semaphore_mem>> -> memref<!tpu.dma_semaphore, #tpu.memory_space<semaphore_mem>>
    tpu.wait_indirect_dma semaphore(%dma_wait3A_79 : memref<!tpu.dma_semaphore, #tpu.memory_space<semaphore_mem>>) src(%dma_wait3A_77 : memref<20480x64xf32, #tpu.memory_space<hbm>>) dst(%arg8 : memref<128x64xf32, #tpu.memory_space<vmem>>)
    %dma_start3A_80 = arith.constant 76 : i32
    %dma_start3A_81 = arith.constant 0 : i32
    %dma_start3A_82 = arith.constant 0 : i32
    %dma_start3A_83 = tpu.memref_slice %arg7[%dma_start3A_80, %dma_start3A_82] : memref<80x128xi32, #tpu.memory_space<vmem>> -> memref<1x128xi32, #tpu.memory_space<vmem>>
    %dma_start3A_84 = tpu.memref_squeeze %dma_start3A_83 : memref<1x128xi32, #tpu.memory_space<vmem>> -> memref<128xi32, #tpu.memory_space<vmem>>
    %dma_start3A_85 = arith.constant 0 : i32
    %dma_start3A_86 = arith.constant 0 : i32
    %dma_start3A_87 = tpu.memref_slice %arg12[%dma_start3A_85, %dma_start3A_86] : memref<10240x64xf32, #tpu.memory_space<vmem_shared>> -> memref<10240x64xf32, #tpu.memory_space<vmem_shared>>
    %dma_start3A_88 = tpu.memref_slice %arg14[%dma_start3A_81] : memref<4x!tpu.dma_semaphore, #tpu.memory_space<semaphore_mem>> -> memref<1x!tpu.dma_semaphore, #tpu.memory_space<semaphore_mem>>
    %dma_start3A_89 = tpu.memref_squeeze %dma_start3A_88 : memref<1x!tpu.dma_semaphore, #tpu.memory_space<semaphore_mem>> -> memref<!tpu.dma_semaphore, #tpu.memory_space<semaphore_mem>>
    tpu.enqueue_indirect_dma source(%arg8 : memref<128x64xf32, #tpu.memory_space<vmem>>) target(%dma_start3A_87 : memref<10240x64xf32, #tpu.memory_space<vmem_shared>>) offsets(%dma_start3A_84 : memref<128xi32, #tpu.memory_space<vmem>>) semaphore(%dma_start3A_89 : memref<!tpu.dma_semaphore, #tpu.memory_space<semaphore_mem>>) {add = true}
    %dma_wait3A_90 = arith.constant 0 : i32
    %dma_wait3A_91 = arith.constant 1 : i32
    %dma_wait3A_92 = arith.constant 0 : i32
    %dma_wait3A_93 = tpu.memref_slice %arg6[%dma_wait3A_90, %dma_wait3A_92] : memref<80x128xi32, #tpu.memory_space<vmem>> -> memref<1x128xi32, #tpu.memory_space<vmem>>
    %dma_wait3A_94 = tpu.memref_squeeze %dma_wait3A_93 : memref<1x128xi32, #tpu.memory_space<vmem>> -> memref<128xi32, #tpu.memory_space<vmem>>
    %dma_wait3A_95 = arith.constant 0 : i32
    %dma_wait3A_96 = arith.constant 0 : i32
    %dma_wait3A_97 = tpu.memref_slice %arg4[%dma_wait3A_95, %dma_wait3A_96] : memref<20480x64xf32, #tpu.memory_space<hbm>> -> memref<20480x64xf32, #tpu.memory_space<hbm>>
    %dma_wait3A_98 = tpu.memref_slice %arg13[%dma_wait3A_91] : memref<4x!tpu.dma_semaphore, #tpu.memory_space<semaphore_mem>> -> memref<1x!tpu.dma_semaphore, #tpu.memory_space<semaphore_mem>>
    %dma_wait3A_99 = tpu.memref_squeeze %dma_wait3A_98 : memref<1x!tpu.dma_semaphore, #tpu.memory_space<semaphore_mem>> -> memref<!tpu.dma_semaphore, #tpu.memory_space<semaphore_mem>>
    tpu.wait_indirect_dma semaphore(%dma_wait3A_99 : memref<!tpu.dma_semaphore, #tpu.memory_space<semaphore_mem>>) src(%dma_wait3A_97 : memref<20480x64xf32, #tpu.memory_space<hbm>>) dst(%arg9 : memref<128x64xf32, #tpu.memory_space<vmem>>)
    %dma_start3A_100 = arith.constant 77 : i32
    %dma_start3A_101 = arith.constant 1 : i32
    %dma_start3A_102 = arith.constant 0 : i32
    %dma_start3A_103 = tpu.memref_slice %arg7[%dma_start3A_100, %dma_start3A_102] : memref<80x128xi32, #tpu.memory_space<vmem>> -> memref<1x128xi32, #tpu.memory_space<vmem>>
    %dma_start3A_104 = tpu.memref_squeeze %dma_start3A_103 : memref<1x128xi32, #tpu.memory_space<vmem>> -> memref<128xi32, #tpu.memory_space<vmem>>
    %dma_start3A_105 = arith.constant 0 : i32
    %dma_start3A_106 = arith.constant 0 : i32
    %dma_start3A_107 = tpu.memref_slice %arg12[%dma_start3A_105, %dma_start3A_106] : memref<10240x64xf32, #tpu.memory_space<vmem_shared>> -> memref<10240x64xf32, #tpu.memory_space<vmem_shared>>
    %dma_start3A_108 = tpu.memref_slice %arg14[%dma_start3A_101] : memref<4x!tpu.dma_semaphore, #tpu.memory_space<semaphore_mem>> -> memref<1x!tpu.dma_semaphore, #tpu.memory_space<semaphore_mem>>
    %dma_start3A_109 = tpu.memref_squeeze %dma_start3A_108 : memref<1x!tpu.dma_semaphore, #tpu.memory_space<semaphore_mem>> -> memref<!tpu.dma_semaphore, #tpu.memory_space<semaphore_mem>>
    tpu.enqueue_indirect_dma source(%arg9 : memref<128x64xf32, #tpu.memory_space<vmem>>) target(%dma_start3A_107 : memref<10240x64xf32, #tpu.memory_space<vmem_shared>>) offsets(%dma_start3A_104 : memref<128xi32, #tpu.memory_space<vmem>>) semaphore(%dma_start3A_109 : memref<!tpu.dma_semaphore, #tpu.memory_space<semaphore_mem>>) {add = true}
    %dma_wait3A_110 = arith.constant 0 : i32
    %dma_wait3A_111 = arith.constant 2 : i32
    %dma_wait3A_112 = arith.constant 0 : i32
    %dma_wait3A_113 = tpu.memref_slice %arg6[%dma_wait3A_110, %dma_wait3A_112] : memref<80x128xi32, #tpu.memory_space<vmem>> -> memref<1x128xi32, #tpu.memory_space<vmem>>
    %dma_wait3A_114 = tpu.memref_squeeze %dma_wait3A_113 : memref<1x128xi32, #tpu.memory_space<vmem>> -> memref<128xi32, #tpu.memory_space<vmem>>
    %dma_wait3A_115 = arith.constant 0 : i32
    %dma_wait3A_116 = arith.constant 0 : i32
    %dma_wait3A_117 = tpu.memref_slice %arg4[%dma_wait3A_115, %dma_wait3A_116] : memref<20480x64xf32, #tpu.memory_space<hbm>> -> memref<20480x64xf32, #tpu.memory_space<hbm>>
    %dma_wait3A_118 = tpu.memref_slice %arg13[%dma_wait3A_111] : memref<4x!tpu.dma_semaphore, #tpu.memory_space<semaphore_mem>> -> memref<1x!tpu.dma_semaphore, #tpu.memory_space<semaphore_mem>>
    %dma_wait3A_119 = tpu.memref_squeeze %dma_wait3A_118 : memref<1x!tpu.dma_semaphore, #tpu.memory_space<semaphore_mem>> -> memref<!tpu.dma_semaphore, #tpu.memory_space<semaphore_mem>>
    tpu.wait_indirect_dma semaphore(%dma_wait3A_119 : memref<!tpu.dma_semaphore, #tpu.memory_space<semaphore_mem>>) src(%dma_wait3A_117 : memref<20480x64xf32, #tpu.memory_space<hbm>>) dst(%arg10 : memref<128x64xf32, #tpu.memory_space<vmem>>)
    %dma_start3A_120 = arith.constant 78 : i32
    %dma_start3A_121 = arith.constant 2 : i32
    %dma_start3A_122 = arith.constant 0 : i32
    %dma_start3A_123 = tpu.memref_slice %arg7[%dma_start3A_120, %dma_start3A_122] : memref<80x128xi32, #tpu.memory_space<vmem>> -> memref<1x128xi32, #tpu.memory_space<vmem>>
    %dma_start3A_124 = tpu.memref_squeeze %dma_start3A_123 : memref<1x128xi32, #tpu.memory_space<vmem>> -> memref<128xi32, #tpu.memory_space<vmem>>
    %dma_start3A_125 = arith.constant 0 : i32
    %dma_start3A_126 = arith.constant 0 : i32
    %dma_start3A_127 = tpu.memref_slice %arg12[%dma_start3A_125, %dma_start3A_126] : memref<10240x64xf32, #tpu.memory_space<vmem_shared>> -> memref<10240x64xf32, #tpu.memory_space<vmem_shared>>
    %dma_start3A_128 = tpu.memref_slice %arg14[%dma_start3A_121] : memref<4x!tpu.dma_semaphore, #tpu.memory_space<semaphore_mem>> -> memref<1x!tpu.dma_semaphore, #tpu.memory_space<semaphore_mem>>
    %dma_start3A_129 = tpu.memref_squeeze %dma_start3A_128 : memref<1x!tpu.dma_semaphore, #tpu.memory_space<semaphore_mem>> -> memref<!tpu.dma_semaphore, #tpu.memory_space<semaphore_mem>>
    tpu.enqueue_indirect_dma source(%arg10 : memref<128x64xf32, #tpu.memory_space<vmem>>) target(%dma_start3A_127 : memref<10240x64xf32, #tpu.memory_space<vmem_shared>>) offsets(%dma_start3A_124 : memref<128xi32, #tpu.memory_space<vmem>>) semaphore(%dma_start3A_129 : memref<!tpu.dma_semaphore, #tpu.memory_space<semaphore_mem>>) {add = true}
    %dma_wait3A_130 = arith.constant 0 : i32
    %dma_wait3A_131 = arith.constant 3 : i32
    %dma_wait3A_132 = arith.constant 0 : i32
    %dma_wait3A_133 = tpu.memref_slice %arg6[%dma_wait3A_130, %dma_wait3A_132] : memref<80x128xi32, #tpu.memory_space<vmem>> -> memref<1x128xi32, #tpu.memory_space<vmem>>
    %dma_wait3A_134 = tpu.memref_squeeze %dma_wait3A_133 : memref<1x128xi32, #tpu.memory_space<vmem>> -> memref<128xi32, #tpu.memory_space<vmem>>
    %dma_wait3A_135 = arith.constant 0 : i32
    %dma_wait3A_136 = arith.constant 0 : i32
    %dma_wait3A_137 = tpu.memref_slice %arg4[%dma_wait3A_135, %dma_wait3A_136] : memref<20480x64xf32, #tpu.memory_space<hbm>> -> memref<20480x64xf32, #tpu.memory_space<hbm>>
    %dma_wait3A_138 = tpu.memref_slice %arg13[%dma_wait3A_131] : memref<4x!tpu.dma_semaphore, #tpu.memory_space<semaphore_mem>> -> memref<1x!tpu.dma_semaphore, #tpu.memory_space<semaphore_mem>>
    %dma_wait3A_139 = tpu.memref_squeeze %dma_wait3A_138 : memref<1x!tpu.dma_semaphore, #tpu.memory_space<semaphore_mem>> -> memref<!tpu.dma_semaphore, #tpu.memory_space<semaphore_mem>>
    tpu.wait_indirect_dma semaphore(%dma_wait3A_139 : memref<!tpu.dma_semaphore, #tpu.memory_space<semaphore_mem>>) src(%dma_wait3A_137 : memref<20480x64xf32, #tpu.memory_space<hbm>>) dst(%arg11 : memref<128x64xf32, #tpu.memory_space<vmem>>)
    %dma_start3A_140 = arith.constant 79 : i32
    %dma_start3A_141 = arith.constant 3 : i32
    %dma_start3A_142 = arith.constant 0 : i32
    %dma_start3A_143 = tpu.memref_slice %arg7[%dma_start3A_140, %dma_start3A_142] : memref<80x128xi32, #tpu.memory_space<vmem>> -> memref<1x128xi32, #tpu.memory_space<vmem>>
    %dma_start3A_144 = tpu.memref_squeeze %dma_start3A_143 : memref<1x128xi32, #tpu.memory_space<vmem>> -> memref<128xi32, #tpu.memory_space<vmem>>
    %dma_start3A_145 = arith.constant 0 : i32
    %dma_start3A_146 = arith.constant 0 : i32
    %dma_start3A_147 = tpu.memref_slice %arg12[%dma_start3A_145, %dma_start3A_146] : memref<10240x64xf32, #tpu.memory_space<vmem_shared>> -> memref<10240x64xf32, #tpu.memory_space<vmem_shared>>
    %dma_start3A_148 = tpu.memref_slice %arg14[%dma_start3A_141] : memref<4x!tpu.dma_semaphore, #tpu.memory_space<semaphore_mem>> -> memref<1x!tpu.dma_semaphore, #tpu.memory_space<semaphore_mem>>
    %dma_start3A_149 = tpu.memref_squeeze %dma_start3A_148 : memref<1x!tpu.dma_semaphore, #tpu.memory_space<semaphore_mem>> -> memref<!tpu.dma_semaphore, #tpu.memory_space<semaphore_mem>>
    tpu.enqueue_indirect_dma source(%arg11 : memref<128x64xf32, #tpu.memory_space<vmem>>) target(%dma_start3A_147 : memref<10240x64xf32, #tpu.memory_space<vmem_shared>>) offsets(%dma_start3A_144 : memref<128xi32, #tpu.memory_space<vmem>>) semaphore(%dma_start3A_149 : memref<!tpu.dma_semaphore, #tpu.memory_space<semaphore_mem>>) {add = true}
    %dma_wait3A_150 = arith.constant 0 : i32
    %dma_wait3A_151 = arith.constant 0 : i32
    %dma_wait3A_152 = arith.constant 0 : i32
    %dma_wait3A_153 = tpu.memref_slice %arg7[%dma_wait3A_150, %dma_wait3A_152] : memref<80x128xi32, #tpu.memory_space<vmem>> -> memref<1x128xi32, #tpu.memory_space<vmem>>
    %dma_wait3A_154 = tpu.memref_squeeze %dma_wait3A_153 : memref<1x128xi32, #tpu.memory_space<vmem>> -> memref<128xi32, #tpu.memory_space<vmem>>
    %dma_wait3A_155 = arith.constant 0 : i32
    %dma_wait3A_156 = arith.constant 0 : i32
    %dma_wait3A_157 = tpu.memref_slice %arg12[%dma_wait3A_155, %dma_wait3A_156] : memref<10240x64xf32, #tpu.memory_space<vmem_shared>> -> memref<10240x64xf32, #tpu.memory_space<vmem_shared>>
    %dma_wait3A_158 = tpu.memref_slice %arg14[%dma_wait3A_151] : memref<4x!tpu.dma_semaphore, #tpu.memory_space<semaphore_mem>> -> memref<1x!tpu.dma_semaphore, #tpu.memory_space<semaphore_mem>>
    %dma_wait3A_159 = tpu.memref_squeeze %dma_wait3A_158 : memref<1x!tpu.dma_semaphore, #tpu.memory_space<semaphore_mem>> -> memref<!tpu.dma_semaphore, #tpu.memory_space<semaphore_mem>>
    tpu.wait_indirect_dma semaphore(%dma_wait3A_159 : memref<!tpu.dma_semaphore, #tpu.memory_space<semaphore_mem>>) src(%arg8 : memref<128x64xf32, #tpu.memory_space<vmem>>) dst(%dma_wait3A_157 : memref<10240x64xf32, #tpu.memory_space<vmem_shared>>)
    %dma_wait3A_160 = arith.constant 0 : i32
    %dma_wait3A_161 = arith.constant 1 : i32
    %dma_wait3A_162 = arith.constant 0 : i32
    %dma_wait3A_163 = tpu.memref_slice %arg7[%dma_wait3A_160, %dma_wait3A_162] : memref<80x128xi32, #tpu.memory_space<vmem>> -> memref<1x128xi32, #tpu.memory_space<vmem>>
    %dma_wait3A_164 = tpu.memref_squeeze %dma_wait3A_163 : memref<1x128xi32, #tpu.memory_space<vmem>> -> memref<128xi32, #tpu.memory_space<vmem>>
    %dma_wait3A_165 = arith.constant 0 : i32
    %dma_wait3A_166 = arith.constant 0 : i32
    %dma_wait3A_167 = tpu.memref_slice %arg12[%dma_wait3A_165, %dma_wait3A_166] : memref<10240x64xf32, #tpu.memory_space<vmem_shared>> -> memref<10240x64xf32, #tpu.memory_space<vmem_shared>>
    %dma_wait3A_168 = tpu.memref_slice %arg14[%dma_wait3A_161] : memref<4x!tpu.dma_semaphore, #tpu.memory_space<semaphore_mem>> -> memref<1x!tpu.dma_semaphore, #tpu.memory_space<semaphore_mem>>
    %dma_wait3A_169 = tpu.memref_squeeze %dma_wait3A_168 : memref<1x!tpu.dma_semaphore, #tpu.memory_space<semaphore_mem>> -> memref<!tpu.dma_semaphore, #tpu.memory_space<semaphore_mem>>
    tpu.wait_indirect_dma semaphore(%dma_wait3A_169 : memref<!tpu.dma_semaphore, #tpu.memory_space<semaphore_mem>>) src(%arg9 : memref<128x64xf32, #tpu.memory_space<vmem>>) dst(%dma_wait3A_167 : memref<10240x64xf32, #tpu.memory_space<vmem_shared>>)
    %dma_wait3A_170 = arith.constant 0 : i32
    %dma_wait3A_171 = arith.constant 2 : i32
    %dma_wait3A_172 = arith.constant 0 : i32
    %dma_wait3A_173 = tpu.memref_slice %arg7[%dma_wait3A_170, %dma_wait3A_172] : memref<80x128xi32, #tpu.memory_space<vmem>> -> memref<1x128xi32, #tpu.memory_space<vmem>>
    %dma_wait3A_174 = tpu.memref_squeeze %dma_wait3A_173 : memref<1x128xi32, #tpu.memory_space<vmem>> -> memref<128xi32, #tpu.memory_space<vmem>>
    %dma_wait3A_175 = arith.constant 0 : i32
    %dma_wait3A_176 = arith.constant 0 : i32
    %dma_wait3A_177 = tpu.memref_slice %arg12[%dma_wait3A_175, %dma_wait3A_176] : memref<10240x64xf32, #tpu.memory_space<vmem_shared>> -> memref<10240x64xf32, #tpu.memory_space<vmem_shared>>
    %dma_wait3A_178 = tpu.memref_slice %arg14[%dma_wait3A_171] : memref<4x!tpu.dma_semaphore, #tpu.memory_space<semaphore_mem>> -> memref<1x!tpu.dma_semaphore, #tpu.memory_space<semaphore_mem>>
    %dma_wait3A_179 = tpu.memref_squeeze %dma_wait3A_178 : memref<1x!tpu.dma_semaphore, #tpu.memory_space<semaphore_mem>> -> memref<!tpu.dma_semaphore, #tpu.memory_space<semaphore_mem>>
    tpu.wait_indirect_dma semaphore(%dma_wait3A_179 : memref<!tpu.dma_semaphore, #tpu.memory_space<semaphore_mem>>) src(%arg10 : memref<128x64xf32, #tpu.memory_space<vmem>>) dst(%dma_wait3A_177 : memref<10240x64xf32, #tpu.memory_space<vmem_shared>>)
    %dma_wait3A_180 = arith.constant 0 : i32
    %dma_wait3A_181 = arith.constant 3 : i32
    %dma_wait3A_182 = arith.constant 0 : i32
    %dma_wait3A_183 = tpu.memref_slice %arg7[%dma_wait3A_180, %dma_wait3A_182] : memref<80x128xi32, #tpu.memory_space<vmem>> -> memref<1x128xi32, #tpu.memory_space<vmem>>
    %dma_wait3A_184 = tpu.memref_squeeze %dma_wait3A_183 : memref<1x128xi32, #tpu.memory_space<vmem>> -> memref<128xi32, #tpu.memory_space<vmem>>
    %dma_wait3A_185 = arith.constant 0 : i32
    %dma_wait3A_186 = arith.constant 0 : i32
    %dma_wait3A_187 = tpu.memref_slice %arg12[%dma_wait3A_185, %dma_wait3A_186] : memref<10240x64xf32, #tpu.memory_space<vmem_shared>> -> memref<10240x64xf32, #tpu.memory_space<vmem_shared>>
    %dma_wait3A_188 = tpu.memref_slice %arg14[%dma_wait3A_181] : memref<4x!tpu.dma_semaphore, #tpu.memory_space<semaphore_mem>> -> memref<1x!tpu.dma_semaphore, #tpu.memory_space<semaphore_mem>>
    %dma_wait3A_189 = tpu.memref_squeeze %dma_wait3A_188 : memref<1x!tpu.dma_semaphore, #tpu.memory_space<semaphore_mem>> -> memref<!tpu.dma_semaphore, #tpu.memory_space<semaphore_mem>>
    tpu.wait_indirect_dma semaphore(%dma_wait3A_189 : memref<!tpu.dma_semaphore, #tpu.memory_space<semaphore_mem>>) src(%arg11 : memref<128x64xf32, #tpu.memory_space<vmem>>) dst(%dma_wait3A_187 : memref<10240x64xf32, #tpu.memory_space<vmem_shared>>)
    "tpu.region"() ({
      %run_scoped3A = tpu.sem_alloc : memref<!tpu.dma_semaphore, #tpu.memory_space<semaphore_mem>>
      %dma_start3A_362 = arith.constant 80 : i32
      %dma_start3A_363 = arith.constant 0 : i32
      %dma_start3A_364 = tpu.memref_slice %arg2[%arg0, %arg1, %dma_start3A_362, %dma_start3A_363] : memref<2x16x160x128xi32, #tpu.memory_space<hbm>> -> memref<1x1x80x128xi32, #tpu.memory_space<hbm>>
      %dma_start3A_365 = tpu.memref_squeeze %dma_start3A_364 : memref<1x1x80x128xi32, #tpu.memory_space<hbm>> -> memref<80x128xi32, #tpu.memory_space<hbm>>
      %dma_start3A_366 = arith.constant 80 : i32
      %dma_start3A_367 = arith.constant 0 : i32
      %dma_start3A_368 = tpu.memref_slice %arg2[%arg0, %arg1, %dma_start3A_366, %dma_start3A_367] : memref<2x16x160x128xi32, #tpu.memory_space<hbm>> -> memref<1x1x80x128xi32, #tpu.memory_space<hbm>>
      %dma_start3A_369 = tpu.memref_squeeze %dma_start3A_368 : memref<1x1x80x128xi32, #tpu.memory_space<hbm>> -> memref<80x128xi32, #tpu.memory_space<hbm>>
      tpu.enqueue_dma source(%dma_start3A_369 : memref<80x128xi32, #tpu.memory_space<hbm>>) target(%arg6 : memref<80x128xi32, #tpu.memory_space<vmem>>) target_semaphore(%run_scoped3A : memref<!tpu.dma_semaphore, #tpu.memory_space<semaphore_mem>>)
      %dma_wait3A_370 = arith.constant 80 : i32
      %dma_wait3A_371 = arith.constant 0 : i32
      %dma_wait3A_372 = tpu.memref_slice %arg2[%arg0, %arg1, %dma_wait3A_370, %dma_wait3A_371] : memref<2x16x160x128xi32, #tpu.memory_space<hbm>> -> memref<1x1x80x128xi32, #tpu.memory_space<hbm>>
      %dma_wait3A_373 = tpu.memref_squeeze %dma_wait3A_372 : memref<1x1x80x128xi32, #tpu.memory_space<hbm>> -> memref<80x128xi32, #tpu.memory_space<hbm>>
      %dma_wait3A_374 = arith.constant 80 : i32
      %dma_wait3A_375 = arith.constant 0 : i32
      %dma_wait3A_376 = tpu.memref_slice %arg2[%arg0, %arg1, %dma_wait3A_374, %dma_wait3A_375] : memref<2x16x160x128xi32, #tpu.memory_space<hbm>> -> memref<1x1x80x128xi32, #tpu.memory_space<hbm>>
      %dma_wait3A_377 = tpu.memref_squeeze %dma_wait3A_376 : memref<1x1x80x128xi32, #tpu.memory_space<hbm>> -> memref<80x128xi32, #tpu.memory_space<hbm>>
      tpu.wait_dma2 semaphore(%run_scoped3A : memref<!tpu.dma_semaphore, #tpu.memory_space<semaphore_mem>>) src(%dma_wait3A_377 : memref<80x128xi32, #tpu.memory_space<hbm>>) dst(%arg6 : memref<80x128xi32, #tpu.memory_space<vmem>>)
      tpu.yield
    }) : () -> ()
    "tpu.region"() ({
      %run_scoped3A = tpu.sem_alloc : memref<!tpu.dma_semaphore, #tpu.memory_space<semaphore_mem>>
      %dma_start3A_362 = arith.constant 80 : i32
      %dma_start3A_363 = arith.constant 0 : i32
      %dma_start3A_364 = tpu.memref_slice %arg3[%arg1, %dma_start3A_362, %dma_start3A_363] : memref<16x160x128xi32, #tpu.memory_space<hbm>> -> memref<1x80x128xi32, #tpu.memory_space<hbm>>
      %dma_start3A_365 = tpu.memref_squeeze %dma_start3A_364 : memref<1x80x128xi32, #tpu.memory_space<hbm>> -> memref<80x128xi32, #tpu.memory_space<hbm>>
      %dma_start3A_366 = arith.constant 80 : i32
      %dma_start3A_367 = arith.constant 0 : i32
      %dma_start3A_368 = tpu.memref_slice %arg3[%arg1, %dma_start3A_366, %dma_start3A_367] : memref<16x160x128xi32, #tpu.memory_space<hbm>> -> memref<1x80x128xi32, #tpu.memory_space<hbm>>
      %dma_start3A_369 = tpu.memref_squeeze %dma_start3A_368 : memref<1x80x128xi32, #tpu.memory_space<hbm>> -> memref<80x128xi32, #tpu.memory_space<hbm>>
      tpu.enqueue_dma source(%dma_start3A_369 : memref<80x128xi32, #tpu.memory_space<hbm>>) target(%arg7 : memref<80x128xi32, #tpu.memory_space<vmem>>) target_semaphore(%run_scoped3A : memref<!tpu.dma_semaphore, #tpu.memory_space<semaphore_mem>>)
      %dma_wait3A_370 = arith.constant 80 : i32
      %dma_wait3A_371 = arith.constant 0 : i32
      %dma_wait3A_372 = tpu.memref_slice %arg3[%arg1, %dma_wait3A_370, %dma_wait3A_371] : memref<16x160x128xi32, #tpu.memory_space<hbm>> -> memref<1x80x128xi32, #tpu.memory_space<hbm>>
      %dma_wait3A_373 = tpu.memref_squeeze %dma_wait3A_372 : memref<1x80x128xi32, #tpu.memory_space<hbm>> -> memref<80x128xi32, #tpu.memory_space<hbm>>
      %dma_wait3A_374 = arith.constant 80 : i32
      %dma_wait3A_375 = arith.constant 0 : i32
      %dma_wait3A_376 = tpu.memref_slice %arg3[%arg1, %dma_wait3A_374, %dma_wait3A_375] : memref<16x160x128xi32, #tpu.memory_space<hbm>> -> memref<1x80x128xi32, #tpu.memory_space<hbm>>
      %dma_wait3A_377 = tpu.memref_squeeze %dma_wait3A_376 : memref<1x80x128xi32, #tpu.memory_space<hbm>> -> memref<80x128xi32, #tpu.memory_space<hbm>>
      tpu.wait_dma2 semaphore(%run_scoped3A : memref<!tpu.dma_semaphore, #tpu.memory_space<semaphore_mem>>) src(%dma_wait3A_377 : memref<80x128xi32, #tpu.memory_space<hbm>>) dst(%arg7 : memref<80x128xi32, #tpu.memory_space<vmem>>)
      tpu.yield
    }) : () -> ()
    %dma_start3A_190 = arith.constant 0 : i32
    %dma_start3A_191 = arith.constant 0 : i32
    %dma_start3A_192 = arith.constant 0 : i32
    %dma_start3A_193 = tpu.memref_slice %arg6[%dma_start3A_190, %dma_start3A_192] : memref<80x128xi32, #tpu.memory_space<vmem>> -> memref<1x128xi32, #tpu.memory_space<vmem>>
    %dma_start3A_194 = tpu.memref_squeeze %dma_start3A_193 : memref<1x128xi32, #tpu.memory_space<vmem>> -> memref<128xi32, #tpu.memory_space<vmem>>
    %dma_start3A_195 = arith.constant 0 : i32
    %dma_start3A_196 = arith.constant 0 : i32
    %dma_start3A_197 = tpu.memref_slice %arg4[%dma_start3A_195, %dma_start3A_196] : memref<20480x64xf32, #tpu.memory_space<hbm>> -> memref<20480x64xf32, #tpu.memory_space<hbm>>
    %dma_start3A_198 = tpu.memref_slice %arg13[%dma_start3A_191] : memref<4x!tpu.dma_semaphore, #tpu.memory_space<semaphore_mem>> -> memref<1x!tpu.dma_semaphore, #tpu.memory_space<semaphore_mem>>
    %dma_start3A_199 = tpu.memref_squeeze %dma_start3A_198 : memref<1x!tpu.dma_semaphore, #tpu.memory_space<semaphore_mem>> -> memref<!tpu.dma_semaphore, #tpu.memory_space<semaphore_mem>>
    tpu.enqueue_indirect_dma source(%dma_start3A_197 : memref<20480x64xf32, #tpu.memory_space<hbm>>) target(%arg8 : memref<128x64xf32, #tpu.memory_space<vmem>>) offsets(%dma_start3A_194 : memref<128xi32, #tpu.memory_space<vmem>>) semaphore(%dma_start3A_199 : memref<!tpu.dma_semaphore, #tpu.memory_space<semaphore_mem>>)
    %dma_start3A_200 = arith.constant 1 : i32
    %dma_start3A_201 = arith.constant 1 : i32
    %dma_start3A_202 = arith.constant 0 : i32
    %dma_start3A_203 = tpu.memref_slice %arg6[%dma_start3A_200, %dma_start3A_202] : memref<80x128xi32, #tpu.memory_space<vmem>> -> memref<1x128xi32, #tpu.memory_space<vmem>>
    %dma_start3A_204 = tpu.memref_squeeze %dma_start3A_203 : memref<1x128xi32, #tpu.memory_space<vmem>> -> memref<128xi32, #tpu.memory_space<vmem>>
    %dma_start3A_205 = arith.constant 0 : i32
    %dma_start3A_206 = arith.constant 0 : i32
    %dma_start3A_207 = tpu.memref_slice %arg4[%dma_start3A_205, %dma_start3A_206] : memref<20480x64xf32, #tpu.memory_space<hbm>> -> memref<20480x64xf32, #tpu.memory_space<hbm>>
    %dma_start3A_208 = tpu.memref_slice %arg13[%dma_start3A_201] : memref<4x!tpu.dma_semaphore, #tpu.memory_space<semaphore_mem>> -> memref<1x!tpu.dma_semaphore, #tpu.memory_space<semaphore_mem>>
    %dma_start3A_209 = tpu.memref_squeeze %dma_start3A_208 : memref<1x!tpu.dma_semaphore, #tpu.memory_space<semaphore_mem>> -> memref<!tpu.dma_semaphore, #tpu.memory_space<semaphore_mem>>
    tpu.enqueue_indirect_dma source(%dma_start3A_207 : memref<20480x64xf32, #tpu.memory_space<hbm>>) target(%arg9 : memref<128x64xf32, #tpu.memory_space<vmem>>) offsets(%dma_start3A_204 : memref<128xi32, #tpu.memory_space<vmem>>) semaphore(%dma_start3A_209 : memref<!tpu.dma_semaphore, #tpu.memory_space<semaphore_mem>>)
    %dma_start3A_210 = arith.constant 2 : i32
    %dma_start3A_211 = arith.constant 2 : i32
    %dma_start3A_212 = arith.constant 0 : i32
    %dma_start3A_213 = tpu.memref_slice %arg6[%dma_start3A_210, %dma_start3A_212] : memref<80x128xi32, #tpu.memory_space<vmem>> -> memref<1x128xi32, #tpu.memory_space<vmem>>
    %dma_start3A_214 = tpu.memref_squeeze %dma_start3A_213 : memref<1x128xi32, #tpu.memory_space<vmem>> -> memref<128xi32, #tpu.memory_space<vmem>>
    %dma_start3A_215 = arith.constant 0 : i32
    %dma_start3A_216 = arith.constant 0 : i32
    %dma_start3A_217 = tpu.memref_slice %arg4[%dma_start3A_215, %dma_start3A_216] : memref<20480x64xf32, #tpu.memory_space<hbm>> -> memref<20480x64xf32, #tpu.memory_space<hbm>>
    %dma_start3A_218 = tpu.memref_slice %arg13[%dma_start3A_211] : memref<4x!tpu.dma_semaphore, #tpu.memory_space<semaphore_mem>> -> memref<1x!tpu.dma_semaphore, #tpu.memory_space<semaphore_mem>>
    %dma_start3A_219 = tpu.memref_squeeze %dma_start3A_218 : memref<1x!tpu.dma_semaphore, #tpu.memory_space<semaphore_mem>> -> memref<!tpu.dma_semaphore, #tpu.memory_space<semaphore_mem>>
    tpu.enqueue_indirect_dma source(%dma_start3A_217 : memref<20480x64xf32, #tpu.memory_space<hbm>>) target(%arg10 : memref<128x64xf32, #tpu.memory_space<vmem>>) offsets(%dma_start3A_214 : memref<128xi32, #tpu.memory_space<vmem>>) semaphore(%dma_start3A_219 : memref<!tpu.dma_semaphore, #tpu.memory_space<semaphore_mem>>)
    %dma_start3A_220 = arith.constant 3 : i32
    %dma_start3A_221 = arith.constant 3 : i32
    %dma_start3A_222 = arith.constant 0 : i32
    %dma_start3A_223 = tpu.memref_slice %arg6[%dma_start3A_220, %dma_start3A_222] : memref<80x128xi32, #tpu.memory_space<vmem>> -> memref<1x128xi32, #tpu.memory_space<vmem>>
    %dma_start3A_224 = tpu.memref_squeeze %dma_start3A_223 : memref<1x128xi32, #tpu.memory_space<vmem>> -> memref<128xi32, #tpu.memory_space<vmem>>
    %dma_start3A_225 = arith.constant 0 : i32
    %dma_start3A_226 = arith.constant 0 : i32
    %dma_start3A_227 = tpu.memref_slice %arg4[%dma_start3A_225, %dma_start3A_226] : memref<20480x64xf32, #tpu.memory_space<hbm>> -> memref<20480x64xf32, #tpu.memory_space<hbm>>
    %dma_start3A_228 = tpu.memref_slice %arg13[%dma_start3A_221] : memref<4x!tpu.dma_semaphore, #tpu.memory_space<semaphore_mem>> -> memref<1x!tpu.dma_semaphore, #tpu.memory_space<semaphore_mem>>
    %dma_start3A_229 = tpu.memref_squeeze %dma_start3A_228 : memref<1x!tpu.dma_semaphore, #tpu.memory_space<semaphore_mem>> -> memref<!tpu.dma_semaphore, #tpu.memory_space<semaphore_mem>>
    tpu.enqueue_indirect_dma source(%dma_start3A_227 : memref<20480x64xf32, #tpu.memory_space<hbm>>) target(%arg11 : memref<128x64xf32, #tpu.memory_space<vmem>>) offsets(%dma_start3A_224 : memref<128xi32, #tpu.memory_space<vmem>>) semaphore(%dma_start3A_229 : memref<!tpu.dma_semaphore, #tpu.memory_space<semaphore_mem>>)
    %scan3A_230 = arith.constant 0 : i32
    %scan3A_231 = arith.constant 0 : i32
    %scan3A_232 = arith.constant 19 : i32
    %scan3A_233 = arith.addi %scan3A_231, %scan3A_232 : i32
    %scan3A_234 = arith.constant 1 : i32
    %scan3A_235 = scf.for %scan3A_362 = %scan3A_231 to %scan3A_233 step %scan3A_234 iter_args(%scan3A_363 = %scan3A_230) -> (i32)  : i32 {
      %mul3A_364 = arith.constant 4 : i32
      %mul3A_365 = arith.muli %mul3A_364, %scan3A_362 : i32
      %dma_wait3A_366 = arith.constant 0 : i32
      %dma_wait3A_367 = arith.constant 0 : i32
      %dma_wait3A_368 = arith.constant 0 : i32
      %dma_wait3A_369 = tpu.memref_slice %arg6[%dma_wait3A_366, %dma_wait3A_368] : memref<80x128xi32, #tpu.memory_space<vmem>> -> memref<1x128xi32, #tpu.memory_space<vmem>>
      %dma_wait3A_370 = tpu.memref_squeeze %dma_wait3A_369 : memref<1x128xi32, #tpu.memory_space<vmem>> -> memref<128xi32, #tpu.memory_space<vmem>>
      %dma_wait3A_371 = arith.constant 0 : i32
      %dma_wait3A_372 = arith.constant 0 : i32
      %dma_wait3A_373 = tpu.memref_slice %arg4[%dma_wait3A_371, %dma_wait3A_372] : memref<20480x64xf32, #tpu.memory_space<hbm>> -> memref<20480x64xf32, #tpu.memory_space<hbm>>
      %dma_wait3A_374 = tpu.memref_slice %arg13[%dma_wait3A_367] : memref<4x!tpu.dma_semaphore, #tpu.memory_space<semaphore_mem>> -> memref<1x!tpu.dma_semaphore, #tpu.memory_space<semaphore_mem>>
      %dma_wait3A_375 = tpu.memref_squeeze %dma_wait3A_374 : memref<1x!tpu.dma_semaphore, #tpu.memory_space<semaphore_mem>> -> memref<!tpu.dma_semaphore, #tpu.memory_space<semaphore_mem>>
      tpu.wait_indirect_dma semaphore(%dma_wait3A_375 : memref<!tpu.dma_semaphore, #tpu.memory_space<semaphore_mem>>) src(%dma_wait3A_373 : memref<20480x64xf32, #tpu.memory_space<hbm>>) dst(%arg8 : memref<128x64xf32, #tpu.memory_space<vmem>>)
      %add3A_376 = arith.constant 0 : i32
      %add3A_377 = arith.addi %mul3A_365, %add3A_376 : i32
      %dma_start3A_378 = arith.constant 0 : i32
      %dma_start3A_379 = arith.constant 0 : i32
      %dma_start3A_380 = tpu.memref_slice %arg7[%add3A_377, %dma_start3A_379] : memref<80x128xi32, #tpu.memory_space<vmem>> -> memref<1x128xi32, #tpu.memory_space<vmem>>
      %dma_start3A_381 = tpu.memref_squeeze %dma_start3A_380 : memref<1x128xi32, #tpu.memory_space<vmem>> -> memref<128xi32, #tpu.memory_space<vmem>>
      %dma_start3A_382 = arith.constant 0 : i32
      %dma_start3A_383 = arith.constant 0 : i32
      %dma_start3A_384 = tpu.memref_slice %arg12[%dma_start3A_382, %dma_start3A_383] : memref<10240x64xf32, #tpu.memory_space<vmem_shared>> -> memref<10240x64xf32, #tpu.memory_space<vmem_shared>>
      %dma_start3A_385 = tpu.memref_slice %arg14[%dma_start3A_378] : memref<4x!tpu.dma_semaphore, #tpu.memory_space<semaphore_mem>> -> memref<1x!tpu.dma_semaphore, #tpu.memory_space<semaphore_mem>>
      %dma_start3A_386 = tpu.memref_squeeze %dma_start3A_385 : memref<1x!tpu.dma_semaphore, #tpu.memory_space<semaphore_mem>> -> memref<!tpu.dma_semaphore, #tpu.memory_space<semaphore_mem>>
      tpu.enqueue_indirect_dma source(%arg8 : memref<128x64xf32, #tpu.memory_space<vmem>>) target(%dma_start3A_384 : memref<10240x64xf32, #tpu.memory_space<vmem_shared>>) offsets(%dma_start3A_381 : memref<128xi32, #tpu.memory_space<vmem>>) semaphore(%dma_start3A_386 : memref<!tpu.dma_semaphore, #tpu.memory_space<semaphore_mem>>) {add = true}
      %dma_wait3A_387 = arith.constant 0 : i32
      %dma_wait3A_388 = arith.constant 1 : i32
      %dma_wait3A_389 = arith.constant 0 : i32
      %dma_wait3A_390 = tpu.memref_slice %arg6[%dma_wait3A_387, %dma_wait3A_389] : memref<80x128xi32, #tpu.memory_space<vmem>> -> memref<1x128xi32, #tpu.memory_space<vmem>>
      %dma_wait3A_391 = tpu.memref_squeeze %dma_wait3A_390 : memref<1x128xi32, #tpu.memory_space<vmem>> -> memref<128xi32, #tpu.memory_space<vmem>>
      %dma_wait3A_392 = arith.constant 0 : i32
      %dma_wait3A_393 = arith.constant 0 : i32
      %dma_wait3A_394 = tpu.memref_slice %arg4[%dma_wait3A_392, %dma_wait3A_393] : memref<20480x64xf32, #tpu.memory_space<hbm>> -> memref<20480x64xf32, #tpu.memory_space<hbm>>
      %dma_wait3A_395 = tpu.memref_slice %arg13[%dma_wait3A_388] : memref<4x!tpu.dma_semaphore, #tpu.memory_space<semaphore_mem>> -> memref<1x!tpu.dma_semaphore, #tpu.memory_space<semaphore_mem>>
      %dma_wait3A_396 = tpu.memref_squeeze %dma_wait3A_395 : memref<1x!tpu.dma_semaphore, #tpu.memory_space<semaphore_mem>> -> memref<!tpu.dma_semaphore, #tpu.memory_space<semaphore_mem>>
      tpu.wait_indirect_dma semaphore(%dma_wait3A_396 : memref<!tpu.dma_semaphore, #tpu.memory_space<semaphore_mem>>) src(%dma_wait3A_394 : memref<20480x64xf32, #tpu.memory_space<hbm>>) dst(%arg9 : memref<128x64xf32, #tpu.memory_space<vmem>>)
      %add3A_397 = arith.constant 1 : i32
      %add3A_398 = arith.addi %mul3A_365, %add3A_397 : i32
      %dma_start3A_399 = arith.constant 1 : i32
      %dma_start3A_400 = arith.constant 0 : i32
      %dma_start3A_401 = tpu.memref_slice %arg7[%add3A_398, %dma_start3A_400] : memref<80x128xi32, #tpu.memory_space<vmem>> -> memref<1x128xi32, #tpu.memory_space<vmem>>
      %dma_start3A_402 = tpu.memref_squeeze %dma_start3A_401 : memref<1x128xi32, #tpu.memory_space<vmem>> -> memref<128xi32, #tpu.memory_space<vmem>>
      %dma_start3A_403 = arith.constant 0 : i32
      %dma_start3A_404 = arith.constant 0 : i32
      %dma_start3A_405 = tpu.memref_slice %arg12[%dma_start3A_403, %dma_start3A_404] : memref<10240x64xf32, #tpu.memory_space<vmem_shared>> -> memref<10240x64xf32, #tpu.memory_space<vmem_shared>>
      %dma_start3A_406 = tpu.memref_slice %arg14[%dma_start3A_399] : memref<4x!tpu.dma_semaphore, #tpu.memory_space<semaphore_mem>> -> memref<1x!tpu.dma_semaphore, #tpu.memory_space<semaphore_mem>>
      %dma_start3A_407 = tpu.memref_squeeze %dma_start3A_406 : memref<1x!tpu.dma_semaphore, #tpu.memory_space<semaphore_mem>> -> memref<!tpu.dma_semaphore, #tpu.memory_space<semaphore_mem>>
      tpu.enqueue_indirect_dma source(%arg9 : memref<128x64xf32, #tpu.memory_space<vmem>>) target(%dma_start3A_405 : memref<10240x64xf32, #tpu.memory_space<vmem_shared>>) offsets(%dma_start3A_402 : memref<128xi32, #tpu.memory_space<vmem>>) semaphore(%dma_start3A_407 : memref<!tpu.dma_semaphore, #tpu.memory_space<semaphore_mem>>) {add = true}
      %dma_wait3A_408 = arith.constant 0 : i32
      %dma_wait3A_409 = arith.constant 2 : i32
      %dma_wait3A_410 = arith.constant 0 : i32
      %dma_wait3A_411 = tpu.memref_slice %arg6[%dma_wait3A_408, %dma_wait3A_410] : memref<80x128xi32, #tpu.memory_space<vmem>> -> memref<1x128xi32, #tpu.memory_space<vmem>>
      %dma_wait3A_412 = tpu.memref_squeeze %dma_wait3A_411 : memref<1x128xi32, #tpu.memory_space<vmem>> -> memref<128xi32, #tpu.memory_space<vmem>>
      %dma_wait3A_413 = arith.constant 0 : i32
      %dma_wait3A_414 = arith.constant 0 : i32
      %dma_wait3A_415 = tpu.memref_slice %arg4[%dma_wait3A_413, %dma_wait3A_414] : memref<20480x64xf32, #tpu.memory_space<hbm>> -> memref<20480x64xf32, #tpu.memory_space<hbm>>
      %dma_wait3A_416 = tpu.memref_slice %arg13[%dma_wait3A_409] : memref<4x!tpu.dma_semaphore, #tpu.memory_space<semaphore_mem>> -> memref<1x!tpu.dma_semaphore, #tpu.memory_space<semaphore_mem>>
      %dma_wait3A_417 = tpu.memref_squeeze %dma_wait3A_416 : memref<1x!tpu.dma_semaphore, #tpu.memory_space<semaphore_mem>> -> memref<!tpu.dma_semaphore, #tpu.memory_space<semaphore_mem>>
      tpu.wait_indirect_dma semaphore(%dma_wait3A_417 : memref<!tpu.dma_semaphore, #tpu.memory_space<semaphore_mem>>) src(%dma_wait3A_415 : memref<20480x64xf32, #tpu.memory_space<hbm>>) dst(%arg10 : memref<128x64xf32, #tpu.memory_space<vmem>>)
      %add3A_418 = arith.constant 2 : i32
      %add3A_419 = arith.addi %mul3A_365, %add3A_418 : i32
      %dma_start3A_420 = arith.constant 2 : i32
      %dma_start3A_421 = arith.constant 0 : i32
      %dma_start3A_422 = tpu.memref_slice %arg7[%add3A_419, %dma_start3A_421] : memref<80x128xi32, #tpu.memory_space<vmem>> -> memref<1x128xi32, #tpu.memory_space<vmem>>
      %dma_start3A_423 = tpu.memref_squeeze %dma_start3A_422 : memref<1x128xi32, #tpu.memory_space<vmem>> -> memref<128xi32, #tpu.memory_space<vmem>>
      %dma_start3A_424 = arith.constant 0 : i32
      %dma_start3A_425 = arith.constant 0 : i32
      %dma_start3A_426 = tpu.memref_slice %arg12[%dma_start3A_424, %dma_start3A_425] : memref<10240x64xf32, #tpu.memory_space<vmem_shared>> -> memref<10240x64xf32, #tpu.memory_space<vmem_shared>>
      %dma_start3A_427 = tpu.memref_slice %arg14[%dma_start3A_420] : memref<4x!tpu.dma_semaphore, #tpu.memory_space<semaphore_mem>> -> memref<1x!tpu.dma_semaphore, #tpu.memory_space<semaphore_mem>>
      %dma_start3A_428 = tpu.memref_squeeze %dma_start3A_427 : memref<1x!tpu.dma_semaphore, #tpu.memory_space<semaphore_mem>> -> memref<!tpu.dma_semaphore, #tpu.memory_space<semaphore_mem>>
      tpu.enqueue_indirect_dma source(%arg10 : memref<128x64xf32, #tpu.memory_space<vmem>>) target(%dma_start3A_426 : memref<10240x64xf32, #tpu.memory_space<vmem_shared>>) offsets(%dma_start3A_423 : memref<128xi32, #tpu.memory_space<vmem>>) semaphore(%dma_start3A_428 : memref<!tpu.dma_semaphore, #tpu.memory_space<semaphore_mem>>) {add = true}
      %dma_wait3A_429 = arith.constant 0 : i32
      %dma_wait3A_430 = arith.constant 3 : i32
      %dma_wait3A_431 = arith.constant 0 : i32
      %dma_wait3A_432 = tpu.memref_slice %arg6[%dma_wait3A_429, %dma_wait3A_431] : memref<80x128xi32, #tpu.memory_space<vmem>> -> memref<1x128xi32, #tpu.memory_space<vmem>>
      %dma_wait3A_433 = tpu.memref_squeeze %dma_wait3A_432 : memref<1x128xi32, #tpu.memory_space<vmem>> -> memref<128xi32, #tpu.memory_space<vmem>>
      %dma_wait3A_434 = arith.constant 0 : i32
      %dma_wait3A_435 = arith.constant 0 : i32
      %dma_wait3A_436 = tpu.memref_slice %arg4[%dma_wait3A_434, %dma_wait3A_435] : memref<20480x64xf32, #tpu.memory_space<hbm>> -> memref<20480x64xf32, #tpu.memory_space<hbm>>
      %dma_wait3A_437 = tpu.memref_slice %arg13[%dma_wait3A_430] : memref<4x!tpu.dma_semaphore, #tpu.memory_space<semaphore_mem>> -> memref<1x!tpu.dma_semaphore, #tpu.memory_space<semaphore_mem>>
      %dma_wait3A_438 = tpu.memref_squeeze %dma_wait3A_437 : memref<1x!tpu.dma_semaphore, #tpu.memory_space<semaphore_mem>> -> memref<!tpu.dma_semaphore, #tpu.memory_space<semaphore_mem>>
      tpu.wait_indirect_dma semaphore(%dma_wait3A_438 : memref<!tpu.dma_semaphore, #tpu.memory_space<semaphore_mem>>) src(%dma_wait3A_436 : memref<20480x64xf32, #tpu.memory_space<hbm>>) dst(%arg11 : memref<128x64xf32, #tpu.memory_space<vmem>>)
      %add3A_439 = arith.constant 3 : i32
      %add3A_440 = arith.addi %mul3A_365, %add3A_439 : i32
      %dma_start3A_441 = arith.constant 3 : i32
      %dma_start3A_442 = arith.constant 0 : i32
      %dma_start3A_443 = tpu.memref_slice %arg7[%add3A_440, %dma_start3A_442] : memref<80x128xi32, #tpu.memory_space<vmem>> -> memref<1x128xi32, #tpu.memory_space<vmem>>
      %dma_start3A_444 = tpu.memref_squeeze %dma_start3A_443 : memref<1x128xi32, #tpu.memory_space<vmem>> -> memref<128xi32, #tpu.memory_space<vmem>>
      %dma_start3A_445 = arith.constant 0 : i32
      %dma_start3A_446 = arith.constant 0 : i32
      %dma_start3A_447 = tpu.memref_slice %arg12[%dma_start3A_445, %dma_start3A_446] : memref<10240x64xf32, #tpu.memory_space<vmem_shared>> -> memref<10240x64xf32, #tpu.memory_space<vmem_shared>>
      %dma_start3A_448 = tpu.memref_slice %arg14[%dma_start3A_441] : memref<4x!tpu.dma_semaphore, #tpu.memory_space<semaphore_mem>> -> memref<1x!tpu.dma_semaphore, #tpu.memory_space<semaphore_mem>>
      %dma_start3A_449 = tpu.memref_squeeze %dma_start3A_448 : memref<1x!tpu.dma_semaphore, #tpu.memory_space<semaphore_mem>> -> memref<!tpu.dma_semaphore, #tpu.memory_space<semaphore_mem>>
      tpu.enqueue_indirect_dma source(%arg11 : memref<128x64xf32, #tpu.memory_space<vmem>>) target(%dma_start3A_447 : memref<10240x64xf32, #tpu.memory_space<vmem_shared>>) offsets(%dma_start3A_444 : memref<128xi32, #tpu.memory_space<vmem>>) semaphore(%dma_start3A_449 : memref<!tpu.dma_semaphore, #tpu.memory_space<semaphore_mem>>) {add = true}
      %dma_wait3A_450 = arith.constant 0 : i32
      %dma_wait3A_451 = arith.constant 0 : i32
      %dma_wait3A_452 = arith.constant 0 : i32
      %dma_wait3A_453 = tpu.memref_slice %arg7[%dma_wait3A_450, %dma_wait3A_452] : memref<80x128xi32, #tpu.memory_space<vmem>> -> memref<1x128xi32, #tpu.memory_space<vmem>>
      %dma_wait3A_454 = tpu.memref_squeeze %dma_wait3A_453 : memref<1x128xi32, #tpu.memory_space<vmem>> -> memref<128xi32, #tpu.memory_space<vmem>>
      %dma_wait3A_455 = arith.constant 0 : i32
      %dma_wait3A_456 = arith.constant 0 : i32
      %dma_wait3A_457 = tpu.memref_slice %arg12[%dma_wait3A_455, %dma_wait3A_456] : memref<10240x64xf32, #tpu.memory_space<vmem_shared>> -> memref<10240x64xf32, #tpu.memory_space<vmem_shared>>
      %dma_wait3A_458 = tpu.memref_slice %arg14[%dma_wait3A_451] : memref<4x!tpu.dma_semaphore, #tpu.memory_space<semaphore_mem>> -> memref<1x!tpu.dma_semaphore, #tpu.memory_space<semaphore_mem>>
      %dma_wait3A_459 = tpu.memref_squeeze %dma_wait3A_458 : memref<1x!tpu.dma_semaphore, #tpu.memory_space<semaphore_mem>> -> memref<!tpu.dma_semaphore, #tpu.memory_space<semaphore_mem>>
      tpu.wait_indirect_dma semaphore(%dma_wait3A_459 : memref<!tpu.dma_semaphore, #tpu.memory_space<semaphore_mem>>) src(%arg8 : memref<128x64xf32, #tpu.memory_space<vmem>>) dst(%dma_wait3A_457 : memref<10240x64xf32, #tpu.memory_space<vmem_shared>>)
      %add3A_460 = arith.constant 4 : i32
      %add3A_461 = arith.addi %mul3A_365, %add3A_460 : i32
      %add3A_462 = arith.constant 0 : i32
      %add3A_463 = arith.addi %add3A_461, %add3A_462 : i32
      %dma_start3A_464 = arith.constant 0 : i32
      %dma_start3A_465 = arith.constant 0 : i32
      %dma_start3A_466 = tpu.memref_slice %arg6[%add3A_463, %dma_start3A_465] : memref<80x128xi32, #tpu.memory_space<vmem>> -> memref<1x128xi32, #tpu.memory_space<vmem>>
      %dma_start3A_467 = tpu.memref_squeeze %dma_start3A_466 : memref<1x128xi32, #tpu.memory_space<vmem>> -> memref<128xi32, #tpu.memory_space<vmem>>
      %dma_start3A_468 = arith.constant 0 : i32
      %dma_start3A_469 = arith.constant 0 : i32
      %dma_start3A_470 = tpu.memref_slice %arg4[%dma_start3A_468, %dma_start3A_469] : memref<20480x64xf32, #tpu.memory_space<hbm>> -> memref<20480x64xf32, #tpu.memory_space<hbm>>
      %dma_start3A_471 = tpu.memref_slice %arg13[%dma_start3A_464] : memref<4x!tpu.dma_semaphore, #tpu.memory_space<semaphore_mem>> -> memref<1x!tpu.dma_semaphore, #tpu.memory_space<semaphore_mem>>
      %dma_start3A_472 = tpu.memref_squeeze %dma_start3A_471 : memref<1x!tpu.dma_semaphore, #tpu.memory_space<semaphore_mem>> -> memref<!tpu.dma_semaphore, #tpu.memory_space<semaphore_mem>>
      tpu.enqueue_indirect_dma source(%dma_start3A_470 : memref<20480x64xf32, #tpu.memory_space<hbm>>) target(%arg8 : memref<128x64xf32, #tpu.memory_space<vmem>>) offsets(%dma_start3A_467 : memref<128xi32, #tpu.memory_space<vmem>>) semaphore(%dma_start3A_472 : memref<!tpu.dma_semaphore, #tpu.memory_space<semaphore_mem>>)
      %dma_wait3A_473 = arith.constant 0 : i32
      %dma_wait3A_474 = arith.constant 1 : i32
      %dma_wait3A_475 = arith.constant 0 : i32
      %dma_wait3A_476 = tpu.memref_slice %arg7[%dma_wait3A_473, %dma_wait3A_475] : memref<80x128xi32, #tpu.memory_space<vmem>> -> memref<1x128xi32, #tpu.memory_space<vmem>>
      %dma_wait3A_477 = tpu.memref_squeeze %dma_wait3A_476 : memref<1x128xi32, #tpu.memory_space<vmem>> -> memref<128xi32, #tpu.memory_space<vmem>>
      %dma_wait3A_478 = arith.constant 0 : i32
      %dma_wait3A_479 = arith.constant 0 : i32
      %dma_wait3A_480 = tpu.memref_slice %arg12[%dma_wait3A_478, %dma_wait3A_479] : memref<10240x64xf32, #tpu.memory_space<vmem_shared>> -> memref<10240x64xf32, #tpu.memory_space<vmem_shared>>
      %dma_wait3A_481 = tpu.memref_slice %arg14[%dma_wait3A_474] : memref<4x!tpu.dma_semaphore, #tpu.memory_space<semaphore_mem>> -> memref<1x!tpu.dma_semaphore, #tpu.memory_space<semaphore_mem>>
      %dma_wait3A_482 = tpu.memref_squeeze %dma_wait3A_481 : memref<1x!tpu.dma_semaphore, #tpu.memory_space<semaphore_mem>> -> memref<!tpu.dma_semaphore, #tpu.memory_space<semaphore_mem>>
      tpu.wait_indirect_dma semaphore(%dma_wait3A_482 : memref<!tpu.dma_semaphore, #tpu.memory_space<semaphore_mem>>) src(%arg9 : memref<128x64xf32, #tpu.memory_space<vmem>>) dst(%dma_wait3A_480 : memref<10240x64xf32, #tpu.memory_space<vmem_shared>>)
      %add3A_483 = arith.constant 4 : i32
      %add3A_484 = arith.addi %mul3A_365, %add3A_483 : i32
      %add3A_485 = arith.constant 1 : i32
      %add3A_486 = arith.addi %add3A_484, %add3A_485 : i32
      %dma_start3A_487 = arith.constant 1 : i32
      %dma_start3A_488 = arith.constant 0 : i32
      %dma_start3A_489 = tpu.memref_slice %arg6[%add3A_486, %dma_start3A_488] : memref<80x128xi32, #tpu.memory_space<vmem>> -> memref<1x128xi32, #tpu.memory_space<vmem>>
      %dma_start3A_490 = tpu.memref_squeeze %dma_start3A_489 : memref<1x128xi32, #tpu.memory_space<vmem>> -> memref<128xi32, #tpu.memory_space<vmem>>
      %dma_start3A_491 = arith.constant 0 : i32
      %dma_start3A_492 = arith.constant 0 : i32
      %dma_start3A_493 = tpu.memref_slice %arg4[%dma_start3A_491, %dma_start3A_492] : memref<20480x64xf32, #tpu.memory_space<hbm>> -> memref<20480x64xf32, #tpu.memory_space<hbm>>
      %dma_start3A_494 = tpu.memref_slice %arg13[%dma_start3A_487] : memref<4x!tpu.dma_semaphore, #tpu.memory_space<semaphore_mem>> -> memref<1x!tpu.dma_semaphore, #tpu.memory_space<semaphore_mem>>
      %dma_start3A_495 = tpu.memref_squeeze %dma_start3A_494 : memref<1x!tpu.dma_semaphore, #tpu.memory_space<semaphore_mem>> -> memref<!tpu.dma_semaphore, #tpu.memory_space<semaphore_mem>>
      tpu.enqueue_indirect_dma source(%dma_start3A_493 : memref<20480x64xf32, #tpu.memory_space<hbm>>) target(%arg9 : memref<128x64xf32, #tpu.memory_space<vmem>>) offsets(%dma_start3A_490 : memref<128xi32, #tpu.memory_space<vmem>>) semaphore(%dma_start3A_495 : memref<!tpu.dma_semaphore, #tpu.memory_space<semaphore_mem>>)
      %dma_wait3A_496 = arith.constant 0 : i32
      %dma_wait3A_497 = arith.constant 2 : i32
      %dma_wait3A_498 = arith.constant 0 : i32
      %dma_wait3A_499 = tpu.memref_slice %arg7[%dma_wait3A_496, %dma_wait3A_498] : memref<80x128xi32, #tpu.memory_space<vmem>> -> memref<1x128xi32, #tpu.memory_space<vmem>>
      %dma_wait3A_500 = tpu.memref_squeeze %dma_wait3A_499 : memref<1x128xi32, #tpu.memory_space<vmem>> -> memref<128xi32, #tpu.memory_space<vmem>>
      %dma_wait3A_501 = arith.constant 0 : i32
      %dma_wait3A_502 = arith.constant 0 : i32
      %dma_wait3A_503 = tpu.memref_slice %arg12[%dma_wait3A_501, %dma_wait3A_502] : memref<10240x64xf32, #tpu.memory_space<vmem_shared>> -> memref<10240x64xf32, #tpu.memory_space<vmem_shared>>
      %dma_wait3A_504 = tpu.memref_slice %arg14[%dma_wait3A_497] : memref<4x!tpu.dma_semaphore, #tpu.memory_space<semaphore_mem>> -> memref<1x!tpu.dma_semaphore, #tpu.memory_space<semaphore_mem>>
      %dma_wait3A_505 = tpu.memref_squeeze %dma_wait3A_504 : memref<1x!tpu.dma_semaphore, #tpu.memory_space<semaphore_mem>> -> memref<!tpu.dma_semaphore, #tpu.memory_space<semaphore_mem>>
      tpu.wait_indirect_dma semaphore(%dma_wait3A_505 : memref<!tpu.dma_semaphore, #tpu.memory_space<semaphore_mem>>) src(%arg10 : memref<128x64xf32, #tpu.memory_space<vmem>>) dst(%dma_wait3A_503 : memref<10240x64xf32, #tpu.memory_space<vmem_shared>>)
      %add3A_506 = arith.constant 4 : i32
      %add3A_507 = arith.addi %mul3A_365, %add3A_506 : i32
      %add3A_508 = arith.constant 2 : i32
      %add3A_509 = arith.addi %add3A_507, %add3A_508 : i32
      %dma_start3A_510 = arith.constant 2 : i32
      %dma_start3A_511 = arith.constant 0 : i32
      %dma_start3A_512 = tpu.memref_slice %arg6[%add3A_509, %dma_start3A_511] : memref<80x128xi32, #tpu.memory_space<vmem>> -> memref<1x128xi32, #tpu.memory_space<vmem>>
      %dma_start3A_513 = tpu.memref_squeeze %dma_start3A_512 : memref<1x128xi32, #tpu.memory_space<vmem>> -> memref<128xi32, #tpu.memory_space<vmem>>
      %dma_start3A_514 = arith.constant 0 : i32
      %dma_start3A_515 = arith.constant 0 : i32
      %dma_start3A_516 = tpu.memref_slice %arg4[%dma_start3A_514, %dma_start3A_515] : memref<20480x64xf32, #tpu.memory_space<hbm>> -> memref<20480x64xf32, #tpu.memory_space<hbm>>
      %dma_start3A_517 = tpu.memref_slice %arg13[%dma_start3A_510] : memref<4x!tpu.dma_semaphore, #tpu.memory_space<semaphore_mem>> -> memref<1x!tpu.dma_semaphore, #tpu.memory_space<semaphore_mem>>
      %dma_start3A_518 = tpu.memref_squeeze %dma_start3A_517 : memref<1x!tpu.dma_semaphore, #tpu.memory_space<semaphore_mem>> -> memref<!tpu.dma_semaphore, #tpu.memory_space<semaphore_mem>>
      tpu.enqueue_indirect_dma source(%dma_start3A_516 : memref<20480x64xf32, #tpu.memory_space<hbm>>) target(%arg10 : memref<128x64xf32, #tpu.memory_space<vmem>>) offsets(%dma_start3A_513 : memref<128xi32, #tpu.memory_space<vmem>>) semaphore(%dma_start3A_518 : memref<!tpu.dma_semaphore, #tpu.memory_space<semaphore_mem>>)
      %dma_wait3A_519 = arith.constant 0 : i32
      %dma_wait3A_520 = arith.constant 3 : i32
      %dma_wait3A_521 = arith.constant 0 : i32
      %dma_wait3A_522 = tpu.memref_slice %arg7[%dma_wait3A_519, %dma_wait3A_521] : memref<80x128xi32, #tpu.memory_space<vmem>> -> memref<1x128xi32, #tpu.memory_space<vmem>>
      %dma_wait3A_523 = tpu.memref_squeeze %dma_wait3A_522 : memref<1x128xi32, #tpu.memory_space<vmem>> -> memref<128xi32, #tpu.memory_space<vmem>>
      %dma_wait3A_524 = arith.constant 0 : i32
      %dma_wait3A_525 = arith.constant 0 : i32
      %dma_wait3A_526 = tpu.memref_slice %arg12[%dma_wait3A_524, %dma_wait3A_525] : memref<10240x64xf32, #tpu.memory_space<vmem_shared>> -> memref<10240x64xf32, #tpu.memory_space<vmem_shared>>
      %dma_wait3A_527 = tpu.memref_slice %arg14[%dma_wait3A_520] : memref<4x!tpu.dma_semaphore, #tpu.memory_space<semaphore_mem>> -> memref<1x!tpu.dma_semaphore, #tpu.memory_space<semaphore_mem>>
      %dma_wait3A_528 = tpu.memref_squeeze %dma_wait3A_527 : memref<1x!tpu.dma_semaphore, #tpu.memory_space<semaphore_mem>> -> memref<!tpu.dma_semaphore, #tpu.memory_space<semaphore_mem>>
      tpu.wait_indirect_dma semaphore(%dma_wait3A_528 : memref<!tpu.dma_semaphore, #tpu.memory_space<semaphore_mem>>) src(%arg11 : memref<128x64xf32, #tpu.memory_space<vmem>>) dst(%dma_wait3A_526 : memref<10240x64xf32, #tpu.memory_space<vmem_shared>>)
      %add3A_529 = arith.constant 4 : i32
      %add3A_530 = arith.addi %mul3A_365, %add3A_529 : i32
      %add3A_531 = arith.constant 3 : i32
      %add3A_532 = arith.addi %add3A_530, %add3A_531 : i32
      %dma_start3A_533 = arith.constant 3 : i32
      %dma_start3A_534 = arith.constant 0 : i32
      %dma_start3A_535 = tpu.memref_slice %arg6[%add3A_532, %dma_start3A_534] : memref<80x128xi32, #tpu.memory_space<vmem>> -> memref<1x128xi32, #tpu.memory_space<vmem>>
      %dma_start3A_536 = tpu.memref_squeeze %dma_start3A_535 : memref<1x128xi32, #tpu.memory_space<vmem>> -> memref<128xi32, #tpu.memory_space<vmem>>
      %dma_start3A_537 = arith.constant 0 : i32
      %dma_start3A_538 = arith.constant 0 : i32
      %dma_start3A_539 = tpu.memref_slice %arg4[%dma_start3A_537, %dma_start3A_538] : memref<20480x64xf32, #tpu.memory_space<hbm>> -> memref<20480x64xf32, #tpu.memory_space<hbm>>
      %dma_start3A_540 = tpu.memref_slice %arg13[%dma_start3A_533] : memref<4x!tpu.dma_semaphore, #tpu.memory_space<semaphore_mem>> -> memref<1x!tpu.dma_semaphore, #tpu.memory_space<semaphore_mem>>
      %dma_start3A_541 = tpu.memref_squeeze %dma_start3A_540 : memref<1x!tpu.dma_semaphore, #tpu.memory_space<semaphore_mem>> -> memref<!tpu.dma_semaphore, #tpu.memory_space<semaphore_mem>>
      tpu.enqueue_indirect_dma source(%dma_start3A_539 : memref<20480x64xf32, #tpu.memory_space<hbm>>) target(%arg11 : memref<128x64xf32, #tpu.memory_space<vmem>>) offsets(%dma_start3A_536 : memref<128xi32, #tpu.memory_space<vmem>>) semaphore(%dma_start3A_541 : memref<!tpu.dma_semaphore, #tpu.memory_space<semaphore_mem>>)
      %scan3A_542 = arith.constant 0 : i32
      scf.yield %scan3A_542 : i32
    }
    %scan3A_236 = arith.constant 19 : i32
    %dma_wait3A_237 = arith.constant 0 : i32
    %dma_wait3A_238 = arith.constant 0 : i32
    %dma_wait3A_239 = arith.constant 0 : i32
    %dma_wait3A_240 = tpu.memref_slice %arg6[%dma_wait3A_237, %dma_wait3A_239] : memref<80x128xi32, #tpu.memory_space<vmem>> -> memref<1x128xi32, #tpu.memory_space<vmem>>
    %dma_wait3A_241 = tpu.memref_squeeze %dma_wait3A_240 : memref<1x128xi32, #tpu.memory_space<vmem>> -> memref<128xi32, #tpu.memory_space<vmem>>
    %dma_wait3A_242 = arith.constant 0 : i32
    %dma_wait3A_243 = arith.constant 0 : i32
    %dma_wait3A_244 = tpu.memref_slice %arg4[%dma_wait3A_242, %dma_wait3A_243] : memref<20480x64xf32, #tpu.memory_space<hbm>> -> memref<20480x64xf32, #tpu.memory_space<hbm>>
    %dma_wait3A_245 = tpu.memref_slice %arg13[%dma_wait3A_238] : memref<4x!tpu.dma_semaphore, #tpu.memory_space<semaphore_mem>> -> memref<1x!tpu.dma_semaphore, #tpu.memory_space<semaphore_mem>>
    %dma_wait3A_246 = tpu.memref_squeeze %dma_wait3A_245 : memref<1x!tpu.dma_semaphore, #tpu.memory_space<semaphore_mem>> -> memref<!tpu.dma_semaphore, #tpu.memory_space<semaphore_mem>>
    tpu.wait_indirect_dma semaphore(%dma_wait3A_246 : memref<!tpu.dma_semaphore, #tpu.memory_space<semaphore_mem>>) src(%dma_wait3A_244 : memref<20480x64xf32, #tpu.memory_space<hbm>>) dst(%arg8 : memref<128x64xf32, #tpu.memory_space<vmem>>)
    %dma_start3A_247 = arith.constant 76 : i32
    %dma_start3A_248 = arith.constant 0 : i32
    %dma_start3A_249 = arith.constant 0 : i32
    %dma_start3A_250 = tpu.memref_slice %arg7[%dma_start3A_247, %dma_start3A_249] : memref<80x128xi32, #tpu.memory_space<vmem>> -> memref<1x128xi32, #tpu.memory_space<vmem>>
    %dma_start3A_251 = tpu.memref_squeeze %dma_start3A_250 : memref<1x128xi32, #tpu.memory_space<vmem>> -> memref<128xi32, #tpu.memory_space<vmem>>
    %dma_start3A_252 = arith.constant 0 : i32
    %dma_start3A_253 = arith.constant 0 : i32
    %dma_start3A_254 = tpu.memref_slice %arg12[%dma_start3A_252, %dma_start3A_253] : memref<10240x64xf32, #tpu.memory_space<vmem_shared>> -> memref<10240x64xf32, #tpu.memory_space<vmem_shared>>
    %dma_start3A_255 = tpu.memref_slice %arg14[%dma_start3A_248] : memref<4x!tpu.dma_semaphore, #tpu.memory_space<semaphore_mem>> -> memref<1x!tpu.dma_semaphore, #tpu.memory_space<semaphore_mem>>
    %dma_start3A_256 = tpu.memref_squeeze %dma_start3A_255 : memref<1x!tpu.dma_semaphore, #tpu.memory_space<semaphore_mem>> -> memref<!tpu.dma_semaphore, #tpu.memory_space<semaphore_mem>>
    tpu.enqueue_indirect_dma source(%arg8 : memref<128x64xf32, #tpu.memory_space<vmem>>) target(%dma_start3A_254 : memref<10240x64xf32, #tpu.memory_space<vmem_shared>>) offsets(%dma_start3A_251 : memref<128xi32, #tpu.memory_space<vmem>>) semaphore(%dma_start3A_256 : memref<!tpu.dma_semaphore, #tpu.memory_space<semaphore_mem>>) {add = true}
    %dma_wait3A_257 = arith.constant 0 : i32
    %dma_wait3A_258 = arith.constant 1 : i32
    %dma_wait3A_259 = arith.constant 0 : i32
    %dma_wait3A_260 = tpu.memref_slice %arg6[%dma_wait3A_257, %dma_wait3A_259] : memref<80x128xi32, #tpu.memory_space<vmem>> -> memref<1x128xi32, #tpu.memory_space<vmem>>
    %dma_wait3A_261 = tpu.memref_squeeze %dma_wait3A_260 : memref<1x128xi32, #tpu.memory_space<vmem>> -> memref<128xi32, #tpu.memory_space<vmem>>
    %dma_wait3A_262 = arith.constant 0 : i32
    %dma_wait3A_263 = arith.constant 0 : i32
    %dma_wait3A_264 = tpu.memref_slice %arg4[%dma_wait3A_262, %dma_wait3A_263] : memref<20480x64xf32, #tpu.memory_space<hbm>> -> memref<20480x64xf32, #tpu.memory_space<hbm>>
    %dma_wait3A_265 = tpu.memref_slice %arg13[%dma_wait3A_258] : memref<4x!tpu.dma_semaphore, #tpu.memory_space<semaphore_mem>> -> memref<1x!tpu.dma_semaphore, #tpu.memory_space<semaphore_mem>>
    %dma_wait3A_266 = tpu.memref_squeeze %dma_wait3A_265 : memref<1x!tpu.dma_semaphore, #tpu.memory_space<semaphore_mem>> -> memref<!tpu.dma_semaphore, #tpu.memory_space<semaphore_mem>>
    tpu.wait_indirect_dma semaphore(%dma_wait3A_266 : memref<!tpu.dma_semaphore, #tpu.memory_space<semaphore_mem>>) src(%dma_wait3A_264 : memref<20480x64xf32, #tpu.memory_space<hbm>>) dst(%arg9 : memref<128x64xf32, #tpu.memory_space<vmem>>)
    %dma_start3A_267 = arith.constant 77 : i32
    %dma_start3A_268 = arith.constant 1 : i32
    %dma_start3A_269 = arith.constant 0 : i32
    %dma_start3A_270 = tpu.memref_slice %arg7[%dma_start3A_267, %dma_start3A_269] : memref<80x128xi32, #tpu.memory_space<vmem>> -> memref<1x128xi32, #tpu.memory_space<vmem>>
    %dma_start3A_271 = tpu.memref_squeeze %dma_start3A_270 : memref<1x128xi32, #tpu.memory_space<vmem>> -> memref<128xi32, #tpu.memory_space<vmem>>
    %dma_start3A_272 = arith.constant 0 : i32
    %dma_start3A_273 = arith.constant 0 : i32
    %dma_start3A_274 = tpu.memref_slice %arg12[%dma_start3A_272, %dma_start3A_273] : memref<10240x64xf32, #tpu.memory_space<vmem_shared>> -> memref<10240x64xf32, #tpu.memory_space<vmem_shared>>
    %dma_start3A_275 = tpu.memref_slice %arg14[%dma_start3A_268] : memref<4x!tpu.dma_semaphore, #tpu.memory_space<semaphore_mem>> -> memref<1x!tpu.dma_semaphore, #tpu.memory_space<semaphore_mem>>
    %dma_start3A_276 = tpu.memref_squeeze %dma_start3A_275 : memref<1x!tpu.dma_semaphore, #tpu.memory_space<semaphore_mem>> -> memref<!tpu.dma_semaphore, #tpu.memory_space<semaphore_mem>>
    tpu.enqueue_indirect_dma source(%arg9 : memref<128x64xf32, #tpu.memory_space<vmem>>) target(%dma_start3A_274 : memref<10240x64xf32, #tpu.memory_space<vmem_shared>>) offsets(%dma_start3A_271 : memref<128xi32, #tpu.memory_space<vmem>>) semaphore(%dma_start3A_276 : memref<!tpu.dma_semaphore, #tpu.memory_space<semaphore_mem>>) {add = true}
    %dma_wait3A_277 = arith.constant 0 : i32
    %dma_wait3A_278 = arith.constant 2 : i32
    %dma_wait3A_279 = arith.constant 0 : i32
    %dma_wait3A_280 = tpu.memref_slice %arg6[%dma_wait3A_277, %dma_wait3A_279] : memref<80x128xi32, #tpu.memory_space<vmem>> -> memref<1x128xi32, #tpu.memory_space<vmem>>
    %dma_wait3A_281 = tpu.memref_squeeze %dma_wait3A_280 : memref<1x128xi32, #tpu.memory_space<vmem>> -> memref<128xi32, #tpu.memory_space<vmem>>
    %dma_wait3A_282 = arith.constant 0 : i32
    %dma_wait3A_283 = arith.constant 0 : i32
    %dma_wait3A_284 = tpu.memref_slice %arg4[%dma_wait3A_282, %dma_wait3A_283] : memref<20480x64xf32, #tpu.memory_space<hbm>> -> memref<20480x64xf32, #tpu.memory_space<hbm>>
    %dma_wait3A_285 = tpu.memref_slice %arg13[%dma_wait3A_278] : memref<4x!tpu.dma_semaphore, #tpu.memory_space<semaphore_mem>> -> memref<1x!tpu.dma_semaphore, #tpu.memory_space<semaphore_mem>>
    %dma_wait3A_286 = tpu.memref_squeeze %dma_wait3A_285 : memref<1x!tpu.dma_semaphore, #tpu.memory_space<semaphore_mem>> -> memref<!tpu.dma_semaphore, #tpu.memory_space<semaphore_mem>>
    tpu.wait_indirect_dma semaphore(%dma_wait3A_286 : memref<!tpu.dma_semaphore, #tpu.memory_space<semaphore_mem>>) src(%dma_wait3A_284 : memref<20480x64xf32, #tpu.memory_space<hbm>>) dst(%arg10 : memref<128x64xf32, #tpu.memory_space<vmem>>)
    %dma_start3A_287 = arith.constant 78 : i32
    %dma_start3A_288 = arith.constant 2 : i32
    %dma_start3A_289 = arith.constant 0 : i32
    %dma_start3A_290 = tpu.memref_slice %arg7[%dma_start3A_287, %dma_start3A_289] : memref<80x128xi32, #tpu.memory_space<vmem>> -> memref<1x128xi32, #tpu.memory_space<vmem>>
    %dma_start3A_291 = tpu.memref_squeeze %dma_start3A_290 : memref<1x128xi32, #tpu.memory_space<vmem>> -> memref<128xi32, #tpu.memory_space<vmem>>
    %dma_start3A_292 = arith.constant 0 : i32
    %dma_start3A_293 = arith.constant 0 : i32
    %dma_start3A_294 = tpu.memref_slice %arg12[%dma_start3A_292, %dma_start3A_293] : memref<10240x64xf32, #tpu.memory_space<vmem_shared>> -> memref<10240x64xf32, #tpu.memory_space<vmem_shared>>
    %dma_start3A_295 = tpu.memref_slice %arg14[%dma_start3A_288] : memref<4x!tpu.dma_semaphore, #tpu.memory_space<semaphore_mem>> -> memref<1x!tpu.dma_semaphore, #tpu.memory_space<semaphore_mem>>
    %dma_start3A_296 = tpu.memref_squeeze %dma_start3A_295 : memref<1x!tpu.dma_semaphore, #tpu.memory_space<semaphore_mem>> -> memref<!tpu.dma_semaphore, #tpu.memory_space<semaphore_mem>>
    tpu.enqueue_indirect_dma source(%arg10 : memref<128x64xf32, #tpu.memory_space<vmem>>) target(%dma_start3A_294 : memref<10240x64xf32, #tpu.memory_space<vmem_shared>>) offsets(%dma_start3A_291 : memref<128xi32, #tpu.memory_space<vmem>>) semaphore(%dma_start3A_296 : memref<!tpu.dma_semaphore, #tpu.memory_space<semaphore_mem>>) {add = true}
    %dma_wait3A_297 = arith.constant 0 : i32
    %dma_wait3A_298 = arith.constant 3 : i32
    %dma_wait3A_299 = arith.constant 0 : i32
    %dma_wait3A_300 = tpu.memref_slice %arg6[%dma_wait3A_297, %dma_wait3A_299] : memref<80x128xi32, #tpu.memory_space<vmem>> -> memref<1x128xi32, #tpu.memory_space<vmem>>
    %dma_wait3A_301 = tpu.memref_squeeze %dma_wait3A_300 : memref<1x128xi32, #tpu.memory_space<vmem>> -> memref<128xi32, #tpu.memory_space<vmem>>
    %dma_wait3A_302 = arith.constant 0 : i32
    %dma_wait3A_303 = arith.constant 0 : i32
    %dma_wait3A_304 = tpu.memref_slice %arg4[%dma_wait3A_302, %dma_wait3A_303] : memref<20480x64xf32, #tpu.memory_space<hbm>> -> memref<20480x64xf32, #tpu.memory_space<hbm>>
    %dma_wait3A_305 = tpu.memref_slice %arg13[%dma_wait3A_298] : memref<4x!tpu.dma_semaphore, #tpu.memory_space<semaphore_mem>> -> memref<1x!tpu.dma_semaphore, #tpu.memory_space<semaphore_mem>>
    %dma_wait3A_306 = tpu.memref_squeeze %dma_wait3A_305 : memref<1x!tpu.dma_semaphore, #tpu.memory_space<semaphore_mem>> -> memref<!tpu.dma_semaphore, #tpu.memory_space<semaphore_mem>>
    tpu.wait_indirect_dma semaphore(%dma_wait3A_306 : memref<!tpu.dma_semaphore, #tpu.memory_space<semaphore_mem>>) src(%dma_wait3A_304 : memref<20480x64xf32, #tpu.memory_space<hbm>>) dst(%arg11 : memref<128x64xf32, #tpu.memory_space<vmem>>)
    %dma_start3A_307 = arith.constant 79 : i32
    %dma_start3A_308 = arith.constant 3 : i32
    %dma_start3A_309 = arith.constant 0 : i32
    %dma_start3A_310 = tpu.memref_slice %arg7[%dma_start3A_307, %dma_start3A_309] : memref<80x128xi32, #tpu.memory_space<vmem>> -> memref<1x128xi32, #tpu.memory_space<vmem>>
    %dma_start3A_311 = tpu.memref_squeeze %dma_start3A_310 : memref<1x128xi32, #tpu.memory_space<vmem>> -> memref<128xi32, #tpu.memory_space<vmem>>
    %dma_start3A_312 = arith.constant 0 : i32
    %dma_start3A_313 = arith.constant 0 : i32
    %dma_start3A_314 = tpu.memref_slice %arg12[%dma_start3A_312, %dma_start3A_313] : memref<10240x64xf32, #tpu.memory_space<vmem_shared>> -> memref<10240x64xf32, #tpu.memory_space<vmem_shared>>
    %dma_start3A_315 = tpu.memref_slice %arg14[%dma_start3A_308] : memref<4x!tpu.dma_semaphore, #tpu.memory_space<semaphore_mem>> -> memref<1x!tpu.dma_semaphore, #tpu.memory_space<semaphore_mem>>
    %dma_start3A_316 = tpu.memref_squeeze %dma_start3A_315 : memref<1x!tpu.dma_semaphore, #tpu.memory_space<semaphore_mem>> -> memref<!tpu.dma_semaphore, #tpu.memory_space<semaphore_mem>>
    tpu.enqueue_indirect_dma source(%arg11 : memref<128x64xf32, #tpu.memory_space<vmem>>) target(%dma_start3A_314 : memref<10240x64xf32, #tpu.memory_space<vmem_shared>>) offsets(%dma_start3A_311 : memref<128xi32, #tpu.memory_space<vmem>>) semaphore(%dma_start3A_316 : memref<!tpu.dma_semaphore, #tpu.memory_space<semaphore_mem>>) {add = true}
    %dma_wait3A_317 = arith.constant 0 : i32
    %dma_wait3A_318 = arith.constant 0 : i32
    %dma_wait3A_319 = arith.constant 0 : i32
    %dma_wait3A_320 = tpu.memref_slice %arg7[%dma_wait3A_317, %dma_wait3A_319] : memref<80x128xi32, #tpu.memory_space<vmem>> -> memref<1x128xi32, #tpu.memory_space<vmem>>
    %dma_wait3A_321 = tpu.memref_squeeze %dma_wait3A_320 : memref<1x128xi32, #tpu.memory_space<vmem>> -> memref<128xi32, #tpu.memory_space<vmem>>
    %dma_wait3A_322 = arith.constant 0 : i32
    %dma_wait3A_323 = arith.constant 0 : i32
    %dma_wait3A_324 = tpu.memref_slice %arg12[%dma_wait3A_322, %dma_wait3A_323] : memref<10240x64xf32, #tpu.memory_space<vmem_shared>> -> memref<10240x64xf32, #tpu.memory_space<vmem_shared>>
    %dma_wait3A_325 = tpu.memref_slice %arg14[%dma_wait3A_318] : memref<4x!tpu.dma_semaphore, #tpu.memory_space<semaphore_mem>> -> memref<1x!tpu.dma_semaphore, #tpu.memory_space<semaphore_mem>>
    %dma_wait3A_326 = tpu.memref_squeeze %dma_wait3A_325 : memref<1x!tpu.dma_semaphore, #tpu.memory_space<semaphore_mem>> -> memref<!tpu.dma_semaphore, #tpu.memory_space<semaphore_mem>>
    tpu.wait_indirect_dma semaphore(%dma_wait3A_326 : memref<!tpu.dma_semaphore, #tpu.memory_space<semaphore_mem>>) src(%arg8 : memref<128x64xf32, #tpu.memory_space<vmem>>) dst(%dma_wait3A_324 : memref<10240x64xf32, #tpu.memory_space<vmem_shared>>)
    %dma_wait3A_327 = arith.constant 0 : i32
    %dma_wait3A_328 = arith.constant 1 : i32
    %dma_wait3A_329 = arith.constant 0 : i32
    %dma_wait3A_330 = tpu.memref_slice %arg7[%dma_wait3A_327, %dma_wait3A_329] : memref<80x128xi32, #tpu.memory_space<vmem>> -> memref<1x128xi32, #tpu.memory_space<vmem>>
    %dma_wait3A_331 = tpu.memref_squeeze %dma_wait3A_330 : memref<1x128xi32, #tpu.memory_space<vmem>> -> memref<128xi32, #tpu.memory_space<vmem>>
    %dma_wait3A_332 = arith.constant 0 : i32
    %dma_wait3A_333 = arith.constant 0 : i32
    %dma_wait3A_334 = tpu.memref_slice %arg12[%dma_wait3A_332, %dma_wait3A_333] : memref<10240x64xf32, #tpu.memory_space<vmem_shared>> -> memref<10240x64xf32, #tpu.memory_space<vmem_shared>>
    %dma_wait3A_335 = tpu.memref_slice %arg14[%dma_wait3A_328] : memref<4x!tpu.dma_semaphore, #tpu.memory_space<semaphore_mem>> -> memref<1x!tpu.dma_semaphore, #tpu.memory_space<semaphore_mem>>
    %dma_wait3A_336 = tpu.memref_squeeze %dma_wait3A_335 : memref<1x!tpu.dma_semaphore, #tpu.memory_space<semaphore_mem>> -> memref<!tpu.dma_semaphore, #tpu.memory_space<semaphore_mem>>
    tpu.wait_indirect_dma semaphore(%dma_wait3A_336 : memref<!tpu.dma_semaphore, #tpu.memory_space<semaphore_mem>>) src(%arg9 : memref<128x64xf32, #tpu.memory_space<vmem>>) dst(%dma_wait3A_334 : memref<10240x64xf32, #tpu.memory_space<vmem_shared>>)
    %dma_wait3A_337 = arith.constant 0 : i32
    %dma_wait3A_338 = arith.constant 2 : i32
    %dma_wait3A_339 = arith.constant 0 : i32
    %dma_wait3A_340 = tpu.memref_slice %arg7[%dma_wait3A_337, %dma_wait3A_339] : memref<80x128xi32, #tpu.memory_space<vmem>> -> memref<1x128xi32, #tpu.memory_space<vmem>>
    %dma_wait3A_341 = tpu.memref_squeeze %dma_wait3A_340 : memref<1x128xi32, #tpu.memory_space<vmem>> -> memref<128xi32, #tpu.memory_space<vmem>>
    %dma_wait3A_342 = arith.constant 0 : i32
    %dma_wait3A_343 = arith.constant 0 : i32
    %dma_wait3A_344 = tpu.memref_slice %arg12[%dma_wait3A_342, %dma_wait3A_343] : memref<10240x64xf32, #tpu.memory_space<vmem_shared>> -> memref<10240x64xf32, #tpu.memory_space<vmem_shared>>
    %dma_wait3A_345 = tpu.memref_slice %arg14[%dma_wait3A_338] : memref<4x!tpu.dma_semaphore, #tpu.memory_space<semaphore_mem>> -> memref<1x!tpu.dma_semaphore, #tpu.memory_space<semaphore_mem>>
    %dma_wait3A_346 = tpu.memref_squeeze %dma_wait3A_345 : memref<1x!tpu.dma_semaphore, #tpu.memory_space<semaphore_mem>> -> memref<!tpu.dma_semaphore, #tpu.memory_space<semaphore_mem>>
    tpu.wait_indirect_dma semaphore(%dma_wait3A_346 : memref<!tpu.dma_semaphore, #tpu.memory_space<semaphore_mem>>) src(%arg10 : memref<128x64xf32, #tpu.memory_space<vmem>>) dst(%dma_wait3A_344 : memref<10240x64xf32, #tpu.memory_space<vmem_shared>>)
    %dma_wait3A_347 = arith.constant 0 : i32
    %dma_wait3A_348 = arith.constant 3 : i32
    %dma_wait3A_349 = arith.constant 0 : i32
    %dma_wait3A_350 = tpu.memref_slice %arg7[%dma_wait3A_347, %dma_wait3A_349] : memref<80x128xi32, #tpu.memory_space<vmem>> -> memref<1x128xi32, #tpu.memory_space<vmem>>
    %dma_wait3A_351 = tpu.memref_squeeze %dma_wait3A_350 : memref<1x128xi32, #tpu.memory_space<vmem>> -> memref<128xi32, #tpu.memory_space<vmem>>
    %dma_wait3A_352 = arith.constant 0 : i32
    %dma_wait3A_353 = arith.constant 0 : i32
    %dma_wait3A_354 = tpu.memref_slice %arg12[%dma_wait3A_352, %dma_wait3A_353] : memref<10240x64xf32, #tpu.memory_space<vmem_shared>> -> memref<10240x64xf32, #tpu.memory_space<vmem_shared>>
    %dma_wait3A_355 = tpu.memref_slice %arg14[%dma_wait3A_348] : memref<4x!tpu.dma_semaphore, #tpu.memory_space<semaphore_mem>> -> memref<1x!tpu.dma_semaphore, #tpu.memory_space<semaphore_mem>>
    %dma_wait3A_356 = tpu.memref_squeeze %dma_wait3A_355 : memref<1x!tpu.dma_semaphore, #tpu.memory_space<semaphore_mem>> -> memref<!tpu.dma_semaphore, #tpu.memory_space<semaphore_mem>>
    tpu.wait_indirect_dma semaphore(%dma_wait3A_356 : memref<!tpu.dma_semaphore, #tpu.memory_space<semaphore_mem>>) src(%arg11 : memref<128x64xf32, #tpu.memory_space<vmem>>) dst(%dma_wait3A_354 : memref<10240x64xf32, #tpu.memory_space<vmem_shared>>)
    %barrier3A_357 = arith.constant 0 : index
    tpu.barrier barrier_id(%barrier3A_357)
    %mul3A_358 = arith.constant 640 : i32
    %mul3A_359 = arith.muli %arg1, %mul3A_358 : i32
    %mul3A_360 = arith.constant 640 : i32
    %mul3A_361 = arith.muli %arg1, %mul3A_360 : i32
    "tpu.region"() ({
      %run_scoped3A = tpu.sem_alloc : memref<!tpu.dma_semaphore, #tpu.memory_space<semaphore_mem>>
      %dma_start3A_362 = arith.constant 0 : i32
      %dma_start3A_363 = tpu.memref_slice %arg5[%arg0, %mul3A_361, %dma_start3A_362] : memref<2x10240x64xf32, #tpu.memory_space<hbm>> -> memref<1x640x64xf32, #tpu.memory_space<hbm>>
      %dma_start3A_364 = tpu.memref_squeeze %dma_start3A_363 : memref<1x640x64xf32, #tpu.memory_space<hbm>> -> memref<640x64xf32, #tpu.memory_space<hbm>>
      %dma_start3A_365 = arith.constant 0 : i32
      %dma_start3A_366 = tpu.memref_slice %arg12[%mul3A_359, %dma_start3A_365] : memref<10240x64xf32, #tpu.memory_space<vmem_shared>> -> memref<640x64xf32, #tpu.memory_space<vmem_shared>>
      tpu.enqueue_dma source(%dma_start3A_366 : memref<640x64xf32, #tpu.memory_space<vmem_shared>>) target(%dma_start3A_364 : memref<640x64xf32, #tpu.memory_space<hbm>>) target_semaphore(%run_scoped3A : memref<!tpu.dma_semaphore, #tpu.memory_space<semaphore_mem>>)
      %dma_wait3A_367 = arith.constant 0 : i32
      %dma_wait3A_368 = tpu.memref_slice %arg5[%arg0, %mul3A_361, %dma_wait3A_367] : memref<2x10240x64xf32, #tpu.memory_space<hbm>> -> memref<1x640x64xf32, #tpu.memory_space<hbm>>
      %dma_wait3A_369 = tpu.memref_squeeze %dma_wait3A_368 : memref<1x640x64xf32, #tpu.memory_space<hbm>> -> memref<640x64xf32, #tpu.memory_space<hbm>>
      %dma_wait3A_370 = arith.constant 0 : i32
      %dma_wait3A_371 = tpu.memref_slice %arg12[%mul3A_359, %dma_wait3A_370] : memref<10240x64xf32, #tpu.memory_space<vmem_shared>> -> memref<640x64xf32, #tpu.memory_space<vmem_shared>>
      tpu.wait_dma2 semaphore(%run_scoped3A : memref<!tpu.dma_semaphore, #tpu.memory_space<semaphore_mem>>) src(%dma_wait3A_371 : memref<640x64xf32, #tpu.memory_space<vmem_shared>>) dst(%dma_wait3A_369 : memref<640x64xf32, #tpu.memory_space<hbm>>)
      tpu.yield
    }) : () -> ()
    return
  }
}

module attributes {stable_mosaic.version = 14 : i64} {
  func.func @_scale_body(%arg0: i32, %arg1: memref<32x2560xf32, #tpu.memory_space<vmem>>, %arg2: memref<2560x128xf32, #tpu.memory_space<vmem>>, %arg3: memref<2560x1xf32, #tpu.memory_space<vmem>>, %arg4: memref<2x2560x64xf32, #tpu.memory_space<vmem>>) attributes {dimension_semantics = [#tpu.dimension_semantics<arbitrary>], iteration_bounds = array<i64: 4>, scalar_prefetch = 0 : i64, scratch_operands = 0 : i64, tpu.core_type = #tpu.core_type<tc>, window_params = [{transform_indices = @transform_0, window_bounds = array<i64: 32, 2560>}, {transform_indices = @transform_1, window_bounds = array<i64: 2560, 128>}, {transform_indices = @transform_2, window_bounds = array<i64: 2560, 1>}, {transform_indices = @transform_3, window_bounds = array<i64: 2, 2560, 64>}]} {
    %broadcast_in_dim3A = arith.constant 1.000000e+00 : f32
    %broadcast_in_dim3A_0 = vector.broadcast %broadcast_in_dim3A : f32 to vector<32x1xf32>
    %get3A = arith.constant 0 : index
    %get3A_1 = arith.constant 0 : index
    %get3A_2 = vector.load %arg1[%get3A, %get3A_1] : memref<32x2560xf32, #tpu.memory_space<vmem>>, vector<32x2560xf32>
    %dot_general3A = arith.constant dense<0.000000e+00> : vector<2560x1xf32>
    %dot_general3A_3 = tpu.matmul %get3A_2, %broadcast_in_dim3A_0, %dot_general3A {dimension_numbers = #tpu.dot_dimension_numbers<[0], [0], [1], [1], [0, 1, 1, 1], [], []>, precision = #tpu.contract_precision<fp32>, transpose_lhs_hint = false} : vector<32x2560xf32>, vector<32x1xf32>, vector<2560x1xf32> -> vector<2560x1xf32>
    %add3A = arith.constant 1.000000e+00 : f32
    %add3A_4 = vector.broadcast %add3A : f32 to vector<2560x1xf32>
    %add3A_5 = arith.addf %dot_general3A_3, %add3A_4 : vector<2560x1xf32>
    %rsqrt3A = math.rsqrt %add3A_5 : vector<2560x1xf32>
    %swap3A = arith.constant 0 : index
    %swap3A_6 = arith.constant 0 : index
    %swap3A_7 = vector.load %arg3[%swap3A, %swap3A_6] : memref<2560x1xf32, #tpu.memory_space<vmem>>, vector<2560x1xf32>
    tpu.vector_store %arg3[%swap3A, %swap3A_6], %rsqrt3A {strides = array<i32>} : memref<2560x1xf32, #tpu.memory_space<vmem>>, vector<2560x1xf32>,
    %get3A_8 = arith.constant 0 : index
    %get3A_9 = arith.constant 0 : index
    %get3A_10 = vector.load %arg2[%get3A_8, %get3A_9] : memref<2560x128xf32, #tpu.memory_space<vmem>>, vector<2560x128xf32>
    %mul3A = vector.broadcast %rsqrt3A : vector<2560x1xf32> to vector<2560x128xf32>
    %mul3A_11 = arith.mulf %get3A_10, %mul3A : vector<2560x128xf32>
    %slice3A = vector.extract_strided_slice %mul3A_11 {offsets = [0, 0], sizes = [2560, 64], strides = [1, 1]} : vector<2560x128xf32> to vector<2560x64xf32>
    %swap3A_12 = arith.constant 0 : index
    %swap3A_13 = arith.constant 0 : index
    %swap3A_14 = arith.constant 0 : index
    %swap3A_15 = vector.load %arg4[%swap3A_12, %swap3A_13, %swap3A_14] : memref<2x2560x64xf32, #tpu.memory_space<vmem>>, vector<1x2560x64xf32>
    %swap3A_16 = vector.shape_cast %swap3A_15 : vector<1x2560x64xf32> to vector<2560x64xf32>
    %swap3A_17 = vector.shape_cast %slice3A : vector<2560x64xf32> to vector<1x2560x64xf32>
    tpu.vector_store %arg4[%swap3A_12, %swap3A_13, %swap3A_14], %swap3A_17 {strides = array<i32>} : memref<2x2560x64xf32, #tpu.memory_space<vmem>>, vector<1x2560x64xf32>,
    %slice3A_18 = vector.extract_strided_slice %mul3A_11 {offsets = [0, 64], sizes = [2560, 64], strides = [1, 1]} : vector<2560x128xf32> to vector<2560x64xf32>
    %swap3A_19 = arith.constant 1 : index
    %swap3A_20 = arith.constant 0 : index
    %swap3A_21 = arith.constant 0 : index
    %swap3A_22 = vector.load %arg4[%swap3A_19, %swap3A_20, %swap3A_21] : memref<2x2560x64xf32, #tpu.memory_space<vmem>>, vector<1x2560x64xf32>
    %swap3A_23 = vector.shape_cast %swap3A_22 : vector<1x2560x64xf32> to vector<2560x64xf32>
    %swap3A_24 = vector.shape_cast %slice3A_18 : vector<2560x64xf32> to vector<1x2560x64xf32>
    tpu.vector_store %arg4[%swap3A_19, %swap3A_20, %swap3A_21], %swap3A_24 {strides = array<i32>} : memref<2x2560x64xf32, #tpu.memory_space<vmem>>, vector<1x2560x64xf32>,
    return
  }
  func.func @transform_0(%arg0: i32) -> (i32, i32) {
    %c0_i32 = arith.constant 0 : i32
    %c0_i32_0 = arith.constant 0 : i32
    return %c0_i32, %arg0 : i32, i32
  }
  func.func @transform_1(%arg0: i32) -> (i32, i32) {
    %c0_i32 = arith.constant 0 : i32
    %c0_i32_0 = arith.constant 0 : i32
    return %arg0, %c0_i32 : i32, i32
  }
  func.func @transform_2(%arg0: i32) -> (i32, i32) {
    %c0_i32 = arith.constant 0 : i32
    %c0_i32_0 = arith.constant 0 : i32
    return %arg0, %c0_i32 : i32, i32
  }
  func.func @transform_3(%arg0: i32) -> (i32, i32, i32) {
    %c0_i32 = arith.constant 0 : i32
    %c0_i32_0 = arith.constant 0 : i32
    %c0_i32_1 = arith.constant 0 : i32
    return %c0_i32, %arg0, %c0_i32_0 : i32, i32, i32
  }
}

module attributes {stable_mosaic.version = 14 : i64} {
  func.func @_dense_body(%arg0: i32, %arg1: memref<2x2000x64xf32, #tpu.memory_space<vmem>>, %arg2: memref<2x2000x64xf32, #tpu.memory_space<vmem>>, %arg3: memref<2000x128xf32, #tpu.memory_space<vmem>>, %arg4: memref<2000x1xf32, #tpu.memory_space<vmem>>, %arg5: memref<128x128xf32, #tpu.memory_space<vmem>>, %arg6: memref<1x128xf32, #tpu.memory_space<vmem>>, %arg7: memref<128x256xf32, #tpu.memory_space<vmem>>, %arg8: memref<1x256xf32, #tpu.memory_space<vmem>>, %arg9: memref<256x256xf32, #tpu.memory_space<vmem>>, %arg10: memref<1x256xf32, #tpu.memory_space<vmem>>, %arg11: memref<256x1xf32, #tpu.memory_space<vmem>>, %arg12: memref<1x1xf32, #tpu.memory_space<vmem>>, %arg13: memref<2000x1xf32, #tpu.memory_space<vmem>>) attributes {dimension_semantics = [#tpu.dimension_semantics<arbitrary>], iteration_bounds = array<i64: 5>, scalar_prefetch = 0 : i64, scratch_operands = 0 : i64, tpu.core_type = #tpu.core_type<tc>, window_params = [{transform_indices = @transform_0, window_bounds = array<i64: 2, 2000, 64>}, {transform_indices = @transform_1, window_bounds = array<i64: 2, 2000, 64>}, {transform_indices = @transform_2, window_bounds = array<i64: 2000, 128>}, {transform_indices = @transform_3, window_bounds = array<i64: 2000, 1>}, {pipeline_mode = #tpu.pipeline_mode<synchronous>, transform_indices = @transform_4, window_bounds = array<i64: 128, 128>}, {pipeline_mode = #tpu.pipeline_mode<synchronous>, transform_indices = @transform_5, window_bounds = array<i64: 1, 128>}, {pipeline_mode = #tpu.pipeline_mode<synchronous>, transform_indices = @transform_6, window_bounds = array<i64: 128, 256>}, {pipeline_mode = #tpu.pipeline_mode<synchronous>, transform_indices = @transform_7, window_bounds = array<i64: 1, 256>}, {pipeline_mode = #tpu.pipeline_mode<synchronous>, transform_indices = @transform_8, window_bounds = array<i64: 256, 256>}, {pipeline_mode = #tpu.pipeline_mode<synchronous>, transform_indices = @transform_9, window_bounds = array<i64: 1, 256>}, {pipeline_mode = #tpu.pipeline_mode<synchronous>, transform_indices = @transform_10, window_bounds = array<i64: 256, 1>}, {pipeline_mode = #tpu.pipeline_mode<synchronous>, transform_indices = @transform_11, window_bounds = array<i64: 1, 1>}, {transform_indices = @transform_12, window_bounds = array<i64: 2000, 1>}]} {
    %get3A = arith.constant 0 : index
    %get3A_0 = arith.constant 0 : index
    %get3A_1 = arith.constant 0 : index
    %get3A_2 = vector.load %arg1[%get3A, %get3A_0, %get3A_1] : memref<2x2000x64xf32, #tpu.memory_space<vmem>>, vector<1x2000x64xf32>
    %get3A_3 = vector.shape_cast %get3A_2 : vector<1x2000x64xf32> to vector<2000x64xf32>
    %get3A_4 = arith.constant 0 : index
    %get3A_5 = arith.constant 0 : index
    %get3A_6 = arith.constant 0 : index
    %get3A_7 = vector.load %arg2[%get3A_4, %get3A_5, %get3A_6] : memref<2x2000x64xf32, #tpu.memory_space<vmem>>, vector<1x2000x64xf32>
    %get3A_8 = vector.shape_cast %get3A_7 : vector<1x2000x64xf32> to vector<2000x64xf32>
    %add3A = arith.addf %get3A_3, %get3A_8 : vector<2000x64xf32>
    %get3A_9 = arith.constant 1 : index
    %get3A_10 = arith.constant 0 : index
    %get3A_11 = arith.constant 0 : index
    %get3A_12 = vector.load %arg1[%get3A_9, %get3A_10, %get3A_11] : memref<2x2000x64xf32, #tpu.memory_space<vmem>>, vector<1x2000x64xf32>
    %get3A_13 = vector.shape_cast %get3A_12 : vector<1x2000x64xf32> to vector<2000x64xf32>
    %get3A_14 = arith.constant 1 : index
    %get3A_15 = arith.constant 0 : index
    %get3A_16 = arith.constant 0 : index
    %get3A_17 = vector.load %arg2[%get3A_14, %get3A_15, %get3A_16] : memref<2x2000x64xf32, #tpu.memory_space<vmem>>, vector<1x2000x64xf32>
    %get3A_18 = vector.shape_cast %get3A_17 : vector<1x2000x64xf32> to vector<2000x64xf32>
    %add3A_19 = arith.addf %get3A_13, %get3A_18 : vector<2000x64xf32>
    %concatenate3A = tpu.concatenate %add3A, %add3A_19 in 1 : vector<2000x64xf32>, vector<2000x64xf32> -> vector<2000x128xf32>
    %get3A_20 = arith.constant 0 : index
    %get3A_21 = arith.constant 0 : index
    %get3A_22 = vector.load %arg5[%get3A_20, %get3A_21] : memref<128x128xf32, #tpu.memory_space<vmem>>, vector<128x128xf32>
    %dot_general3A = arith.constant dense<0.000000e+00> : vector<2000x128xf32>
    %dot_general3A_23 = tpu.matmul %concatenate3A, %get3A_22, %dot_general3A {dimension_numbers = #tpu.dot_dimension_numbers<[1], [0], [0], [1], [0, 0, 1, 1], [], []>, transpose_lhs_hint = false} : vector<2000x128xf32>, vector<128x128xf32>, vector<2000x128xf32> -> vector<2000x128xf32>
    %get3A_24 = arith.constant 0 : index
    %get3A_25 = arith.constant 0 : index
    %get3A_26 = vector.load %arg4[%get3A_24, %get3A_25] : memref<2000x1xf32, #tpu.memory_space<vmem>>, vector<2000x1xf32>
    %mul3A = vector.broadcast %get3A_26 : vector<2000x1xf32> to vector<2000x128xf32>
    %mul3A_27 = arith.mulf %dot_general3A_23, %mul3A : vector<2000x128xf32>
    %get3A_28 = arith.constant 0 : index
    %get3A_29 = arith.constant 0 : index
    %get3A_30 = vector.load %arg6[%get3A_28, %get3A_29] : memref<1x128xf32, #tpu.memory_space<vmem>>, vector<1x128xf32>
    %add3A_31 = vector.broadcast %get3A_30 : vector<1x128xf32> to vector<2000x128xf32>
    %add3A_32 = arith.addf %mul3A_27, %add3A_31 : vector<2000x128xf32>
    %max3A = arith.constant 0.000000e+00 : f32
    %max3A_33 = vector.broadcast %max3A : f32 to vector<2000x128xf32>
    %max3A_34 = arith.maximumf %add3A_32, %max3A_33 : vector<2000x128xf32>
    %get3A_35 = arith.constant 0 : index
    %get3A_36 = arith.constant 0 : index
    %get3A_37 = vector.load %arg3[%get3A_35, %get3A_36] : memref<2000x128xf32, #tpu.memory_space<vmem>>, vector<2000x128xf32>
    %add3A_38 = arith.addf %max3A_34, %get3A_37 : vector<2000x128xf32>
    %get3A_39 = arith.constant 0 : index
    %get3A_40 = arith.constant 0 : index
    %get3A_41 = vector.load %arg7[%get3A_39, %get3A_40] : memref<128x256xf32, #tpu.memory_space<vmem>>, vector<128x256xf32>
    %dot_general3A_42 = arith.constant dense<0.000000e+00> : vector<2000x256xf32>
    %dot_general3A_43 = tpu.matmul %add3A_38, %get3A_41, %dot_general3A_42 {dimension_numbers = #tpu.dot_dimension_numbers<[1], [0], [0], [1], [0, 0, 1, 1], [], []>, transpose_lhs_hint = false} : vector<2000x128xf32>, vector<128x256xf32>, vector<2000x256xf32> -> vector<2000x256xf32>
    %get3A_44 = arith.constant 0 : index
    %get3A_45 = arith.constant 0 : index
    %get3A_46 = vector.load %arg8[%get3A_44, %get3A_45] : memref<1x256xf32, #tpu.memory_space<vmem>>, vector<1x256xf32>
    %add3A_47 = vector.broadcast %get3A_46 : vector<1x256xf32> to vector<2000x256xf32>
    %add3A_48 = arith.addf %dot_general3A_43, %add3A_47 : vector<2000x256xf32>
    %max3A_49 = arith.constant 0.000000e+00 : f32
    %max3A_50 = vector.broadcast %max3A_49 : f32 to vector<2000x256xf32>
    %max3A_51 = arith.maximumf %add3A_48, %max3A_50 : vector<2000x256xf32>
    %get3A_52 = arith.constant 0 : index
    %get3A_53 = arith.constant 0 : index
    %get3A_54 = vector.load %arg9[%get3A_52, %get3A_53] : memref<256x256xf32, #tpu.memory_space<vmem>>, vector<256x256xf32>
    %dot_general3A_55 = arith.constant dense<0.000000e+00> : vector<2000x256xf32>
    %dot_general3A_56 = tpu.matmul %max3A_51, %get3A_54, %dot_general3A_55 {dimension_numbers = #tpu.dot_dimension_numbers<[1], [0], [0], [1], [0, 0, 1, 1], [], []>, transpose_lhs_hint = false} : vector<2000x256xf32>, vector<256x256xf32>, vector<2000x256xf32> -> vector<2000x256xf32>
    %get3A_57 = arith.constant 0 : index
    %get3A_58 = arith.constant 0 : index
    %get3A_59 = vector.load %arg10[%get3A_57, %get3A_58] : memref<1x256xf32, #tpu.memory_space<vmem>>, vector<1x256xf32>
    %add3A_60 = vector.broadcast %get3A_59 : vector<1x256xf32> to vector<2000x256xf32>
    %add3A_61 = arith.addf %dot_general3A_56, %add3A_60 : vector<2000x256xf32>
    %max3A_62 = arith.constant 0.000000e+00 : f32
    %max3A_63 = vector.broadcast %max3A_62 : f32 to vector<2000x256xf32>
    %max3A_64 = arith.maximumf %add3A_61, %max3A_63 : vector<2000x256xf32>
    %get3A_65 = arith.constant 0 : index
    %get3A_66 = arith.constant 0 : index
    %get3A_67 = vector.load %arg11[%get3A_65, %get3A_66] : memref<256x1xf32, #tpu.memory_space<vmem>>, vector<256x1xf32>
    %dot_general3A_68 = arith.constant dense<0.000000e+00> : vector<2000x1xf32>
    %dot_general3A_69 = tpu.matmul %max3A_64, %get3A_67, %dot_general3A_68 {dimension_numbers = #tpu.dot_dimension_numbers<[1], [0], [0], [1], [0, 0, 1, 1], [], []>, transpose_lhs_hint = false} : vector<2000x256xf32>, vector<256x1xf32>, vector<2000x1xf32> -> vector<2000x1xf32>
    %get3A_70 = arith.constant 0 : index
    %get3A_71 = arith.constant 0 : index
    %get3A_72 = vector.load %arg12[%get3A_70, %get3A_71] : memref<1x1xf32, #tpu.memory_space<vmem>>, vector<1x1xf32>
    %add3A_73 = vector.broadcast %get3A_72 : vector<1x1xf32> to vector<2000x1xf32>
    %add3A_74 = arith.addf %dot_general3A_69, %add3A_73 : vector<2000x1xf32>
    %swap3A = arith.constant 0 : index
    %swap3A_75 = arith.constant 0 : index
    %swap3A_76 = vector.load %arg13[%swap3A, %swap3A_75] : memref<2000x1xf32, #tpu.memory_space<vmem>>, vector<2000x1xf32>
    tpu.vector_store %arg13[%swap3A, %swap3A_75], %add3A_74 {strides = array<i32>} : memref<2000x1xf32, #tpu.memory_space<vmem>>, vector<2000x1xf32>,
    return
  }
  func.func @transform_0(%arg0: i32) -> (i32, i32, i32) {
    %c0_i32 = arith.constant 0 : i32
    %c0_i32_0 = arith.constant 0 : i32
    %c0_i32_1 = arith.constant 0 : i32
    return %c0_i32, %arg0, %c0_i32_0 : i32, i32, i32
  }
  func.func @transform_1(%arg0: i32) -> (i32, i32, i32) {
    %c0_i32 = arith.constant 0 : i32
    %c0_i32_0 = arith.constant 0 : i32
    %c0_i32_1 = arith.constant 0 : i32
    return %c0_i32, %arg0, %c0_i32_0 : i32, i32, i32
  }
  func.func @transform_2(%arg0: i32) -> (i32, i32) {
    %c0_i32 = arith.constant 0 : i32
    %c0_i32_0 = arith.constant 0 : i32
    return %arg0, %c0_i32 : i32, i32
  }
  func.func @transform_3(%arg0: i32) -> (i32, i32) {
    %c0_i32 = arith.constant 0 : i32
    %c0_i32_0 = arith.constant 0 : i32
    return %arg0, %c0_i32 : i32, i32
  }
  func.func @transform_4(%arg0: i32) -> (i32, i32) {
    %c0_i32 = arith.constant 0 : i32
    %c0_i32_0 = arith.constant 0 : i32
    %c0_i32_1 = arith.constant 0 : i32
    return %c0_i32, %c0_i32_0 : i32, i32
  }
  func.func @transform_5(%arg0: i32) -> (i32, i32) {
    %c0_i32 = arith.constant 0 : i32
    %c0_i32_0 = arith.constant 0 : i32
    %c0_i32_1 = arith.constant 0 : i32
    return %c0_i32, %c0_i32_0 : i32, i32
  }
  func.func @transform_6(%arg0: i32) -> (i32, i32) {
    %c0_i32 = arith.constant 0 : i32
    %c0_i32_0 = arith.constant 0 : i32
    %c0_i32_1 = arith.constant 0 : i32
    return %c0_i32, %c0_i32_0 : i32, i32
  }
  func.func @transform_7(%arg0: i32) -> (i32, i32) {
    %c0_i32 = arith.constant 0 : i32
    %c0_i32_0 = arith.constant 0 : i32
    %c0_i32_1 = arith.constant 0 : i32
    return %c0_i32, %c0_i32_0 : i32, i32
  }
  func.func @transform_8(%arg0: i32) -> (i32, i32) {
    %c0_i32 = arith.constant 0 : i32
    %c0_i32_0 = arith.constant 0 : i32
    %c0_i32_1 = arith.constant 0 : i32
    return %c0_i32, %c0_i32_0 : i32, i32
  }
  func.func @transform_9(%arg0: i32) -> (i32, i32) {
    %c0_i32 = arith.constant 0 : i32
    %c0_i32_0 = arith.constant 0 : i32
    %c0_i32_1 = arith.constant 0 : i32
    return %c0_i32, %c0_i32_0 : i32, i32
  }
  func.func @transform_10(%arg0: i32) -> (i32, i32) {
    %c0_i32 = arith.constant 0 : i32
    %c0_i32_0 = arith.constant 0 : i32
    %c0_i32_1 = arith.constant 0 : i32
    return %c0_i32, %c0_i32_0 : i32, i32
  }
  func.func @transform_11(%arg0: i32) -> (i32, i32) {
    %c0_i32 = arith.constant 0 : i32
    %c0_i32_0 = arith.constant 0 : i32
    %c0_i32_1 = arith.constant 0 : i32
    return %c0_i32, %c0_i32_0 : i32, i32
  }
  func.func @transform_12(%arg0: i32) -> (i32, i32) {
    %c0_i32 = arith.constant 0 : i32
    %c0_i32_0 = arith.constant 0 : i32
    return %arg0, %c0_i32 : i32, i32
  }
}

</mosaic_0001>

<sc_bundles>
// kernel: kernel.6.cloned.1.call-start
scs
__scs_entry_jumppad:
0x0: {  	(pc) =	sbr.rel $0x88, $3  }
0x1: {  	(tag) =	ssettag $0x0;
	lr =	simm.s32 $0x1  }
0x2: {  	[smem:$0x3F97] =	sst lr;
	_ =	strace $0xD0000000  }
0x3: {  	_ = 	snop  }
0x4: {  	_ = 	snop  }
0x5: {  	_ = 	snop  }
0x6: {  	_ = 	snop  }
0x7: {  	_ = 	snop  }
__scs_overlays_trampoline_lowered:
0x8: {  	[smem:$0x3FA6] =	sst s0  }
0x9: {  	[smem:$0x3FA7] =	sst s1  }
0xa: {  	[smem:$0x3FA8] =	sst s2  }
0xb: {  	[smem:$0x3FA9] =	sst s3  }
0xc: {  	[smem:$0x3FAA] =	sst s4  }
0xd: {  	[smem:$0x3FAB] =	sst s5  }
0xe: {  	[smem:$0x3FAC] =	sst s6  }
0xf: {  	[smem:$0x3FAD] =	sst s7  }
0x10: {  	[smem:$0x3FAE] =	sst s8  }
0x11: {  	[smem:$0x3FAF] =	sst s9;
	s0 =	simm.s32 @!p0 $0x0  }
0x12: {  	s1 =	sld [smem:$0x3F95];
	s0 =	simm.s32 @p0 $0x1  }
0x13: {  	[smem:$0x3FB0] =	sst s0;
	s0 =	simm.s32 @!p1 $0x0  }
0x14: {  	s2 =	sld [smem:$0x3F94];
	s0 =	simm.s32 @p1 $0x1  }
0x15: {  	[smem:$0x3FB1] =	sst s0;
	s0 =	simm.s32 @!p2 $0x0  }
0x16: {  	s3 =	sld [smem:$0x3FDB];
	s0 =	simm.s32 @p2 $0x1  }
0x17: {  	s4 =	simm.s32 $0x1BF5;
	[smem:$0x3FB3] =	sst s0  }
0x18: {  	s0 =	sld [smem:$0x3F96];
	_ =	swait.ge [sflag:s4], $0x0  }
0x19: {  	s7 =	sld [smem:$0x3F97]  }
0x1a: {  	s8 =	sadd.s32 $0xFFFFE003, lr  }
0x1b: {  	s9 =	sadd.s32 $0xFFFFFEF7, lr;
	s5 =	simm.s32 $0xFFFFFFFF;
	p2 =	slt.u32 s8, $0xFFFFF086  }
0x1c: {  	p1 =	slt.u32 s9, $0xF7A;
	s5 =	simm.s32 @!p2 $0x0  }
0x1d: {  	s5 =	simm.s32 @p1 $0x1;
	p0 =	seq.s32 s7, s2  }
0x1e: {  	s7 =	smul.u32 @!p0 $0xF7A, s2;
	p2 =	seq.s32 @!p0 s5, $0x0  }
0x1f: {  	s9 =	smul.u32 $0xF7A, s1;
	s8 =	simm.s32 @!p0 $0x1BF5;
	p2 =	por !p2, p0  }
0x20: {  	[sflag:s8] =	ssyncset.s32 @!p0 $0xFFFFF086;
	s6 =	sadd.s32 @!p0 s3, s7;
	s7 =	simm.s32 @!p0 $0x108  }
0x21: {  	s3 =	sadd.s32 s3, s9;
	s6 =	sadd.s32 @!p0 $0x88, s6;
	s7 =	simm.s32 @p2 $0x1082  }
0x22: {  	[simem:s7], [sflag:s8] =	dma.local @!p0 [hbm:s6], $0xF7A  }
0x23: {  	s9 =	sor.u32 $0xD0000000, s2;
	s6 =	simm.s32 $0x108;
	_ =	swait.ge @!p0 [sflag:s8], $0x0  }
0x24: {  	s3 =	sadd.s32 $0x88, s3;
	s6 =	simm.s32 @!p1 $0x1082;
	[sflag:s4] =	ssyncset.s32 $0xFFFFF086  }
0x25: {  	[simem:s6], [sflag:s4] =	dma.local [hbm:s3], $0xF7A  }
0x26: {  	[smem:$0x3F97] =	sst s1;
	(tag) =	ssettag s2;
	_ =	strace s9  }
0x27: {  	s1 =	sld [smem:$0x3FA7]  }
0x28: {  	s2 =	sld [smem:$0x3FA8]  }
0x29: {  	s4 =	sld [smem:$0x3FAA]  }
0x2a: {  	p0 =	seq.s32 s5, $0x0;
	s5 =	sld [smem:$0x3FAB]  }
0x2b: {  	s6 =	sld [smem:$0x3FAC]  }
0x2c: {  	s7 =	sld [smem:$0x3FAD]  }
0x2d: {  	s3 =	simm.s32 $0x108;
	s8 =	sld [smem:$0x3FAE]  }
0x2e: {  	s3 =	simm.s32 @!p0 $0x1082;
	s9 =	sld [smem:$0x3FAF]  }
0x2f: {  	lr =	sadd.s32 s0, s3;
	s0 =	sld [smem:$0x3FA6]  }
0x30: {  	s3 =	sld [smem:$0x3FA9]  }
0x31: {  	[smem:$0x3FB2] =	sst s10  }
0x32: {  	s10 =	sld [smem:$0x3FB0];
	_ =	sdelay $0x3  }
0x33: {  	p0 =	seq.s32 s10, $0x1;
	s10 =	sld [smem:$0x3FB2];
	_ =	sdelay $0x3  }
0x34: {  	[smem:$0x3FB2] =	sst s10  }
0x35: {  	s10 =	sld [smem:$0x3FB1];
	_ =	sdelay $0x3  }
0x36: {  	p1 =	seq.s32 s10, $0x1;
	s10 =	sld [smem:$0x3FB2];
	_ =	sdelay $0x3  }
0x37: {  	[smem:$0x3FB2] =	sst s10  }
0x38: {  	s10 =	sld [smem:$0x3FB3]  }
0x39: {  	_ = 	snop;
	(pc) =	sbr.ind lr, $3  }
0x3a: {  	_ = 	snop  }
0x3b: {  	_ = 	snop  }
0x3c: {  	p2 =	seq.s32 s10, $0x1;
	s10 =	sld [smem:$0x3FB2]  }
0x3d: {  	_ =	shalt  }
0x3e: {  	_ =	shalt  }
0x3f: {  	_ =	shalt  }
0x40: {  	_ =	shalt  }
0x41: {  	_ =	shalt  }
0x42: {  	_ =	shalt  }
0x43: {  	_ =	shalt  }
0x44: {  	_ =	shalt  }
0x45: {  	_ =	shalt  }
0x46: {  	_ =	shalt  }
0x47: {  	_ =	shalt  }
0x48: {  	_ =	shalt  }
0x49: {  	_ =	shalt  }
0x4a: {  	_ =	shalt  }
0x4b: {  	_ =	shalt  }
0x4c: {  	_ =	shalt  }
0x4d: {  	_ =	shalt  }
0x4e: {  	_ =	shalt  }
0x4f: {  	_ =	shalt  }
0x50: {  	_ =	shalt  }
0x51: {  	_ =	shalt  }
0x52: {  	_ =	shalt  }
0x53: {  	_ =	shalt  }
0x54: {  	_ =	shalt  }
0x55: {  	_ =	shalt  }
0x56: {  	_ =	shalt  }
0x57: {  	_ =	shalt  }
0x58: {  	_ =	shalt  }
0x59: {  	_ =	shalt  }
0x5a: {  	_ =	shalt  }
0x5b: {  	_ =	shalt  }
0x5c: {  	_ =	shalt  }
0x5d: {  	_ =	shalt  }
0x5e: {  	_ =	shalt  }
0x5f: {  	_ =	shalt  }
0x60: {  	_ =	shalt  }
0x61: {  	_ =	shalt  }
0x62: {  	_ =	shalt  }
0x63: {  	_ =	shalt  }
0x64: {  	_ =	shalt  }
0x65: {  	_ =	shalt  }
0x66: {  	_ =	shalt  }
0x67: {  	_ =	shalt  }
0x68: {  	_ =	shalt  }
0x69: {  	_ =	shalt  }
0x6a: {  	_ =	shalt  }
0x6b: {  	_ =	shalt  }
0x6c: {  	_ =	shalt  }
0x6d: {  	_ =	shalt  }
0x6e: {  	_ =	shalt  }
0x6f: {  	_ =	shalt  }
0x70: {  	_ =	shalt  }
0x71: {  	_ =	shalt  }
0x72: {  	_ =	shalt  }
0x73: {  	_ =	shalt  }
0x74: {  	_ =	shalt  }
0x75: {  	_ =	shalt  }
0x76: {  	_ =	shalt  }
0x77: {  	_ =	shalt  }
0x78: {  	_ =	shalt  }
0x79: {  	_ =	shalt  }
0x7a: {  	_ =	shalt  }
0x7b: {  	_ =	shalt  }
0x7c: {  	_ =	shalt  }
0x7d: {  	_ =	shalt  }
0x7e: {  	_ =	shalt  }
0x7f: {  	_ =	shalt  }
0x80: {  	_ =	shalt  }
0x81: {  	_ =	shalt  }
0x82: {  	_ =	shalt  }
0x83: {  	_ =	shalt  }
0x84: {  	_ =	shalt  }
0x85: {  	_ =	shalt  }
0x86: {  	_ =	shalt  }
0x87: {  	_ =	shalt  }
.Lfunc_end0:
.L_simem_size_0:
called_computation_lowered:
.L_overlay_start_0:
0x88: {  	s2 =	sld [smem:$0x3FD9]  }
0x89: {  	s3 =	sld [smem:$0x3FFE];
	_ =	sdelay $0x1  }
0x8a: {  	s1 =	srdreg.scid  }
0x8b: {  	s0 =	sand.u32 $0x1, s1  }
0x8c: {  	s16 =	sshll.u32 s0, $0xA;
	s2 =	sadd.s32 s3, s2  }
0x8d: {  	s2 =	sadd.s32 s2, s16  }
0x8e: {  	[smem:$0x3FBE] =	sst s2  }
0x8f: {  	_ = 	snop  }
0x90: {  	(tm) =	ssettm $0x1  }
0x91: {  	s17 =	sld [smem:$0x3FFB];
	_ =	sdelay $0x3  }
0x92: {  	_ =	strace s17  }
0x93: {  	s2 =	sld [smem:$0x3FFC];
	_ =	sdelay $0x3  }
0x94: {  	_ =	strace s2  }
0x95: {  	s2 =	sld [smem:$0x3FFD];
	_ =	sdelay $0x3  }
0x96: {  	_ =	strace s2  }
0x97: {  	_ =	strace $0x8FFFFFFF  }
0x98: {  	s18 =	sld [smem:$0x3FDB];
	_ =	sdelay $0x1  }
0x99: {  	s19 =	simm.s32 $_scs_section_size  }
0x9a: {  	s4 =	simm.s32 $_size__tile_overlayer_lowered;
	s5 =	simm.s32 $_tile_overlayer_lowered  }
0x9b: {  	s22 =	simm.s32 $0x1BFF;
	s21 =	sshll.u32 s5, $0x1;
	s2 =	sadd.s32 s19, s18  }
0x9c: {  	s6 =	simm.s32 $0x0;
	s20 =	sshll.u32 s4, $0x1;
	s4 =	sadd.s32 s21, s2  }
0x9d: {  	[timem:s6], [sflag:s22] =	dma.local [hbm:s4], s20  }
0x9e: {  	_ =	swait.ge [sflag:s22], s20  }
0x9f: {  	s3 =	ssub.s32 $0x0, s20;
	[sflag:s22] =	ssyncset.done $0x0  }
0xa0: {  	[sflag:s22] =	ssyncadd.s32 s3;
	_ =	sdelay $0x1  }
0xa1: {  	s23 =	simm.s32 $0x1B8B  }
0xa2: {  	_ =	swait.ge [sflag:s23], $0x1  }
0xa3: {  	[sflag:s23] =	ssyncset.done $0x0  }
0xa4: {  	s25 =	simm.s32 $0x1B8E;
	s24 =	sld [smem:$0x3FFE];
	[sflag:s23] =	ssyncadd.s32 $0xFFFFFFFF  }
0xa5: {  	s26 =	simm.s32 $execute0_lowered;
	[smem:$0x3FD2] =	sst s25  }
0xa6: {  	s4 =	sshll.u32 s26, $0x1;
	_ =	strace $0x80000046;
	[dreg:$0x1] =	wrdreg $0xFFFFFFFF  }
0xa7: {  	s28 =	simm.s32 $_size_execute0_lowered;
	s2 =	sadd.s32 s2, s4;
	[dreg:$0x0] =	wrdreg $0x0  }
0xa8: {  	s4 =	sshll.u32 s28, $0x1;
	[dreg:$0x2] =	wrdreg s2  }
0xa9: {  	[dreg:$0x3] =	wrdreg s4  }
0xaa: {  	[dreg:$0x4] =	wrdreg $0xC0  }
0xab: {  	_ =	task [dreg:s6], $0x5FFFF  }
0xac: {  	[dreg:$0x1] =	wrdreg $0xFFFFFFFF  }
0xad: {  	[dreg:$0x0] =	wrdreg $0x60  }
0xae: {  	[dreg:$0x2] =	wrdreg s24  }
0xaf: {  	[dreg:$0x3] =	wrdreg $0x9  }
0xb0: {  	_ =	task.clear_ibuf [dreg:s6], $0x4FFFF;
	_ =	strace $0x90000046  }
0xb1: {  	s29 =	simm.s32 $0x9;
	_ =	strace $0x80000048  }
0xb2: {  	_ =	swait.ge [sflag:s29], $0x1  }
0xb3: {  	[sflag:s29] =	ssyncadd.s32 $0xFFFFFFFF  }
0xb4: {  	_ =	strace $0x90000048  }
0xb5: {  	_ =	sfence  }
0xb6: {  	s30 =	sld [smem:$0x0];
	_ =	sdelay $0x2  }
0xb7: {  	s31 =	sshll.u32 s1, $0xD;
	s1 =	sshrl.u32 s1, $0x2  }
0xb8: {  	s3 =	sand.u32 $0x4000, s31;
	s1 =	sadd.s32 s1, s30  }
0xb9: {  	s0 =	sor.u32 s3, s0;
	s1 =	sshll.u32 s1, $0x11  }
0xba: {  	s0 =	sor.u32 s1, s0  }
0xbb: {  	s0 =	sadd.s32 $0x8F2B, s0  }
0xbc: {  	[sflag:s0] =	ssyncadd.remote.s32 $0x1  }
0xbd: {  	_ =	sfence.sel $0xFFFF  }
0xbe: {  	[dreg:$0x0] =	wrdreg $0xFFFFFFFF;
	(pc) =	sbr.abs _section_cstart, $3  }
0xbf: {  	[dreg:$0x1] =	wrdreg $0xFFFFFFFF  }
0xc0: {  	_ =	task.clear_ibuf [dreg:s6], $0x2FFFF;
	_ =	strace $0x9FFFFFFF  }
0xc1: {  	(tm) =	ssettm $0x7FFFFFFF  }
tec
execute0_lowered:
.L_overlay_start_1:
0x0: {  	(tag) =	ssettag $0x1  }
0x1: {  	s0 =	srdreg.scid  }
0x2: {  	s3 =	sand.u32 $0x1, s0;
	s0 =	stileid.u32  }
0x3: {  	s4 =	rddreg [dreg:$0x0];
	s9 =	simm.s32 $0x400;
	s5 =	smul.u32 $0x5000, s0  }
0x4: {  	s10 =	simm.s32 $0x0;
	s1 =	sshll.u32 s3, $0x4;
	s6 =	smul.u32 $0x2800, s3  }
0x5: {  	s8 =	sshll.u32 s0, $0x7;
	s3 =	ssub.s32 $0x2, s3;
	s2 =	sor.u32 s0, s1  }
0x6: {  	s1 =	rddreg [dreg:$0x1];
	s8 =	sand.u32 $0x380, s8;
	s7 =	sshrl.u32 s2, $0x3  }
0x7: {  	s2 =	simm.s32 $0x0;
	s5 =	sadd.s32 s6, s5;
	s7 =	smul.u32 $0x14000, s7  }
0x8: {  	s31 =	sshrl.u32 s3, $0x1;
	[smem:$0x7FF] =	sst s2;
	s5 =	sshrl.u32 s5, $0x3  }
0x9: {  	_ =	strace $0x80000047;
	s5 =	sadd.s32 s5, s4;
	s30 =	sor.u32 s8, s7  }
0xa: {  	s7 =	simm.s32 $0x2800;
	s8 =	simm.s32 $0x80;
	s6 =	sshrl.u32 s30, $0x3  }
0xb: {  	s4 =	sadd.s32 s6, s4;
	s6 =	ssub.s32 s3, s31;
	s3 =	sadd.s32 $0x1E00, s5  }
0xc: {  	v0 =	vimm.f32 $0.0e+00;
	v1 =	vimm.f32 $1.000000000e+00;
	s4 =	sadd.s32 $0xBE00, s4;
	s5 =	smax.u32 s6, $0x1;
	s6 =	simm.s32 $0x1  }
.LBB2_1:
0xd: {  	[tilespmem:s2], [sflag:$0x1] =	stream.linear.gather [hbm4b:s3+s2], $0x2800, $0x38;
	[tilespmem:$0x5000] =	vst v63  }
0xe: {  	_ =	swait.ge [sflag:s6], $0x2800  }
0xf: {  	[sflag:s6] =	ssyncset.done $0x0  }
0x10: {  	s11 =	simm.s32 $0x0;
	[sflag:s6] =	ssyncadd.s32 $0xFFFFD800  }
.LBB2_2:
0x11: {  	p0 =	sne.s32 s11, $0x9FC0  }
.Ltmp0:
0x12: {  	_ = 	snop;
	(pc) =	sbr.rel @p0 .LBB2_2-.Ltmp0, $3  }
0x13: {  	_ =	sdelay $0x1  }
0x14: {  	s12 =	sshra.s32 s11, $0x2  }
0x15: {  	s11 =	sadd.s32 $0x40, s11;
	[tilespmem:s12+$0x2800] =	vst v0  }
0x16: {  	s11 =	simm.s32 $0x0  }
.LBB2_4:
0x17: {  	s12 =	sshra.s32 s11, $0x2  }
0x18: {  	v2 =	vld [tilespmem:s12+$0x0];
	_ =	sdelay $0x7  }
0x19: {  	[tilespmem:v2+s7+$0x0] =	vst.idx.add.f32.msk $0xffff, v1  }
0x1a: {  	v2 =	vld [tilespmem:s12+$0x10];
	_ =	sdelay $0x7  }
0x1b: {  	[tilespmem:v2+s7+$0x0] =	vst.idx.add.f32.msk $0xffff, v1  }
0x1c: {  	v2 =	vld [tilespmem:s12+$0x20];
	_ =	sdelay $0x7  }
0x1d: {  	[tilespmem:v2+s7+$0x0] =	vst.idx.add.f32.msk $0xffff, v1  }
0x1e: {  	v2 =	vld [tilespmem:s12+$0x30];
	_ =	sdelay $0x7  }
0x1f: {  	[tilespmem:v2+s7+$0x0] =	vst.idx.add.f32.msk $0xffff, v1  }
0x20: {  	v2 =	vld [tilespmem:s12+$0x40];
	_ =	sdelay $0x7  }
0x21: {  	[tilespmem:v2+s7+$0x0] =	vst.idx.add.f32.msk $0xffff, v1  }
0x22: {  	v2 =	vld [tilespmem:s12+$0x50];
	_ =	sdelay $0x7  }
0x23: {  	[tilespmem:v2+s7+$0x0] =	vst.idx.add.f32.msk $0xffff, v1  }
0x24: {  	v2 =	vld [tilespmem:s12+$0x60];
	_ =	sdelay $0x7  }
0x25: {  	[tilespmem:v2+s7+$0x0] =	vst.idx.add.f32.msk $0xffff, v1  }
0x26: {  	v2 =	vld [tilespmem:s12+$0x70];
	_ =	sdelay $0x2  }
0x27: {  	p0 =	sne.s32 s11, $0x9E00  }
.Ltmp1:
0x28: {  	_ = 	snop;
	(pc) =	sbr.rel @p0 .LBB2_4-.Ltmp1, $2  }
0x29: {  	_ =	sdelay $0x2  }
0x2a: {  	s11 =	sadd.s32 $0x200, s11;
	[tilespmem:v2+s7+$0x0] =	vst.idx.add.f32.msk $0xffff, v1  }
0x2b: {  	s10 =	sadd.s32 $0x1, s10  }
0x2c: {  	p0 =	sne.s32 s10, s5  }
.Ltmp2:
0x2d: {  	_ = 	snop;
	(pc) =	sbr.rel @p0 .LBB2_1-.Ltmp2, $4  }
0x2e: {  	[hbm4b:s4+s8] =	stream.strided.scatter [tilespmem:s7], [sflag:$0x1], $0x2800, s9, s8, $0x38;
	[tilespmem:$0x5000] =	vst v63  }
0x2f: {  	_ =	swait.ge [sflag:s6], $0x2800  }
0x30: {  	[sflag:s6] =	ssyncset.done $0x0  }
0x31: {  	[sflag:s6] =	ssyncadd.s32 $0xFFFFD800  }
0x32: {  	_ =	sfence.sel $0x180000  }
0x33: {  	[bflag:$0x0] =	sbarrier.arrive $0xFFFF  }
0x34: {  	p0 =	sne.s32 s0, $0x0;
	_ =	strace $0x90000047  }
0x35: {  	s0 =	sadd.s32 @!p0 $0x100000, s1;
	[bflag:$0x2] =	sbarrier.arrive $0xFFFF  }
0x36: {  	[sflag:s0] =	ssyncadd.tile.s32 @!p0 $0x1;
	_ =	shalt  }
.Lfunc_end2:
_tile_overlayer_lowered:
.L_overlay_start_2:
0x37: {  	(tag) =	ssettag $0x2  }
0x38: {  	s0 =	rddreg [dreg:$0x0];
	s2 =	stileid.u32  }
0x39: {  	s1 =	rddreg [dreg:$0x1];
	p0 =	sne.s32 s2, $0x0  }
0x3a: {  	s3 =	rddreg [dreg:$0x2];
	[bflag:$0x3] =	sbarrier.arrive $0xFFFF;
	s2 =	simm.s32 @!p0 $0x1C01  }
0x3b: {  	[timem:s3], [sflag:s2] =	dma.local @!p0 [hbm:s0], s1  }
0x3c: {  	s0 =	simm.s32 @!p0 $0x1  }
0x3d: {  	_ =	swait.ge @!p0 [sflag:s0], s1  }
0x3e: {  	s1 =	ssub.s32 @!p0 $0x0, s1;
	[sflag:s0] =	ssyncset.done @!p0 $0x0  }
0x3f: {  	[sflag:s0] =	ssyncadd.s32 @!p0 s1  }
0x40: {  	[bflag:$0x3] =	sbarrier.arrive $0xFFFF  }
0x41: {  	_ =	shalt  }

// kernel: kernel.9.cloned.1.call-start
scs
__scs_entry_jumppad:
0x0: {  	(pc) =	sbr.rel $0x88, $3  }
0x1: {  	(tag) =	ssettag $0x0;
	lr =	simm.s32 $0x1  }
0x2: {  	[smem:$0x3F97] =	sst lr;
	_ =	strace $0xD0000000  }
0x3: {  	_ = 	snop  }
0x4: {  	_ = 	snop  }
0x5: {  	_ = 	snop  }
0x6: {  	_ = 	snop  }
0x7: {  	_ = 	snop  }
__scs_overlays_trampoline_lowered:
0x8: {  	[smem:$0x3FA6] =	sst s0  }
0x9: {  	[smem:$0x3FA7] =	sst s1  }
0xa: {  	[smem:$0x3FA8] =	sst s2  }
0xb: {  	[smem:$0x3FA9] =	sst s3  }
0xc: {  	[smem:$0x3FAA] =	sst s4  }
0xd: {  	[smem:$0x3FAB] =	sst s5  }
0xe: {  	[smem:$0x3FAC] =	sst s6  }
0xf: {  	[smem:$0x3FAD] =	sst s7  }
0x10: {  	[smem:$0x3FAE] =	sst s8  }
0x11: {  	[smem:$0x3FAF] =	sst s9;
	s0 =	simm.s32 @!p0 $0x0  }
0x12: {  	s1 =	sld [smem:$0x3F95];
	s0 =	simm.s32 @p0 $0x1  }
0x13: {  	[smem:$0x3FB0] =	sst s0;
	s0 =	simm.s32 @!p1 $0x0  }
0x14: {  	s2 =	sld [smem:$0x3F94];
	s0 =	simm.s32 @p1 $0x1  }
0x15: {  	[smem:$0x3FB1] =	sst s0;
	s0 =	simm.s32 @!p2 $0x0  }
0x16: {  	s3 =	sld [smem:$0x3FDB];
	s0 =	simm.s32 @p2 $0x1  }
0x17: {  	s4 =	simm.s32 $0x1BF5;
	[smem:$0x3FB3] =	sst s0  }
0x18: {  	s0 =	sld [smem:$0x3F96];
	_ =	swait.ge [sflag:s4], $0x0  }
0x19: {  	s7 =	sld [smem:$0x3F97]  }
0x1a: {  	s8 =	sadd.s32 $0xFFFFE003, lr  }
0x1b: {  	s9 =	sadd.s32 $0xFFFFFEF7, lr;
	s5 =	simm.s32 $0xFFFFFFFF;
	p2 =	slt.u32 s8, $0xFFFFF086  }
0x1c: {  	p1 =	slt.u32 s9, $0xF7A;
	s5 =	simm.s32 @!p2 $0x0  }
0x1d: {  	s5 =	simm.s32 @p1 $0x1;
	p0 =	seq.s32 s7, s2  }
0x1e: {  	s7 =	smul.u32 @!p0 $0xF7A, s2;
	p2 =	seq.s32 @!p0 s5, $0x0  }
0x1f: {  	s9 =	smul.u32 $0xF7A, s1;
	s8 =	simm.s32 @!p0 $0x1BF5;
	p2 =	por !p2, p0  }
0x20: {  	[sflag:s8] =	ssyncset.s32 @!p0 $0xFFFFF086;
	s6 =	sadd.s32 @!p0 s3, s7;
	s7 =	simm.s32 @!p0 $0x108  }
0x21: {  	s3 =	sadd.s32 s3, s9;
	s6 =	sadd.s32 @!p0 $0x88, s6;
	s7 =	simm.s32 @p2 $0x1082  }
0x22: {  	[simem:s7], [sflag:s8] =	dma.local @!p0 [hbm:s6], $0xF7A  }
0x23: {  	s9 =	sor.u32 $0xD0000000, s2;
	s6 =	simm.s32 $0x108;
	_ =	swait.ge @!p0 [sflag:s8], $0x0  }
0x24: {  	s3 =	sadd.s32 $0x88, s3;
	s6 =	simm.s32 @!p1 $0x1082;
	[sflag:s4] =	ssyncset.s32 $0xFFFFF086  }
0x25: {  	[simem:s6], [sflag:s4] =	dma.local [hbm:s3], $0xF7A  }
0x26: {  	[smem:$0x3F97] =	sst s1;
	(tag) =	ssettag s2;
	_ =	strace s9  }
0x27: {  	s1 =	sld [smem:$0x3FA7]  }
0x28: {  	s2 =	sld [smem:$0x3FA8]  }
0x29: {  	s4 =	sld [smem:$0x3FAA]  }
0x2a: {  	p0 =	seq.s32 s5, $0x0;
	s5 =	sld [smem:$0x3FAB]  }
0x2b: {  	s6 =	sld [smem:$0x3FAC]  }
0x2c: {  	s7 =	sld [smem:$0x3FAD]  }
0x2d: {  	s3 =	simm.s32 $0x108;
	s8 =	sld [smem:$0x3FAE]  }
0x2e: {  	s3 =	simm.s32 @!p0 $0x1082;
	s9 =	sld [smem:$0x3FAF]  }
0x2f: {  	lr =	sadd.s32 s0, s3;
	s0 =	sld [smem:$0x3FA6]  }
0x30: {  	s3 =	sld [smem:$0x3FA9]  }
0x31: {  	[smem:$0x3FB2] =	sst s10  }
0x32: {  	s10 =	sld [smem:$0x3FB0];
	_ =	sdelay $0x3  }
0x33: {  	p0 =	seq.s32 s10, $0x1;
	s10 =	sld [smem:$0x3FB2];
	_ =	sdelay $0x3  }
0x34: {  	[smem:$0x3FB2] =	sst s10  }
0x35: {  	s10 =	sld [smem:$0x3FB1];
	_ =	sdelay $0x3  }
0x36: {  	p1 =	seq.s32 s10, $0x1;
	s10 =	sld [smem:$0x3FB2];
	_ =	sdelay $0x3  }
0x37: {  	[smem:$0x3FB2] =	sst s10  }
0x38: {  	s10 =	sld [smem:$0x3FB3]  }
0x39: {  	_ = 	snop;
	(pc) =	sbr.ind lr, $3  }
0x3a: {  	_ = 	snop  }
0x3b: {  	_ = 	snop  }
0x3c: {  	p2 =	seq.s32 s10, $0x1;
	s10 =	sld [smem:$0x3FB2]  }
0x3d: {  	_ =	shalt  }
0x3e: {  	_ =	shalt  }
0x3f: {  	_ =	shalt  }
0x40: {  	_ =	shalt  }
0x41: {  	_ =	shalt  }
0x42: {  	_ =	shalt  }
0x43: {  	_ =	shalt  }
0x44: {  	_ =	shalt  }
0x45: {  	_ =	shalt  }
0x46: {  	_ =	shalt  }
0x47: {  	_ =	shalt  }
0x48: {  	_ =	shalt  }
0x49: {  	_ =	shalt  }
0x4a: {  	_ =	shalt  }
0x4b: {  	_ =	shalt  }
0x4c: {  	_ =	shalt  }
0x4d: {  	_ =	shalt  }
0x4e: {  	_ =	shalt  }
0x4f: {  	_ =	shalt  }
0x50: {  	_ =	shalt  }
0x51: {  	_ =	shalt  }
0x52: {  	_ =	shalt  }
0x53: {  	_ =	shalt  }
0x54: {  	_ =	shalt  }
0x55: {  	_ =	shalt  }
0x56: {  	_ =	shalt  }
0x57: {  	_ =	shalt  }
0x58: {  	_ =	shalt  }
0x59: {  	_ =	shalt  }
0x5a: {  	_ =	shalt  }
0x5b: {  	_ =	shalt  }
0x5c: {  	_ =	shalt  }
0x5d: {  	_ =	shalt  }
0x5e: {  	_ =	shalt  }
0x5f: {  	_ =	shalt  }
0x60: {  	_ =	shalt  }
0x61: {  	_ =	shalt  }
0x62: {  	_ =	shalt  }
0x63: {  	_ =	shalt  }
0x64: {  	_ =	shalt  }
0x65: {  	_ =	shalt  }
0x66: {  	_ =	shalt  }
0x67: {  	_ =	shalt  }
0x68: {  	_ =	shalt  }
0x69: {  	_ =	shalt  }
0x6a: {  	_ =	shalt  }
0x6b: {  	_ =	shalt  }
0x6c: {  	_ =	shalt  }
0x6d: {  	_ =	shalt  }
0x6e: {  	_ =	shalt  }
0x6f: {  	_ =	shalt  }
0x70: {  	_ =	shalt  }
0x71: {  	_ =	shalt  }
0x72: {  	_ =	shalt  }
0x73: {  	_ =	shalt  }
0x74: {  	_ =	shalt  }
0x75: {  	_ =	shalt  }
0x76: {  	_ =	shalt  }
0x77: {  	_ =	shalt  }
0x78: {  	_ =	shalt  }
0x79: {  	_ =	shalt  }
0x7a: {  	_ =	shalt  }
0x7b: {  	_ =	shalt  }
0x7c: {  	_ =	shalt  }
0x7d: {  	_ =	shalt  }
0x7e: {  	_ =	shalt  }
0x7f: {  	_ =	shalt  }
0x80: {  	_ =	shalt  }
0x81: {  	_ =	shalt  }
0x82: {  	_ =	shalt  }
0x83: {  	_ =	shalt  }
0x84: {  	_ =	shalt  }
0x85: {  	_ =	shalt  }
0x86: {  	_ =	shalt  }
0x87: {  	_ =	shalt  }
.Lfunc_end0:
.L_simem_size_0:
called_computation.1_lowered:
.L_overlay_start_0:
0x88: {  	s2 =	sld [smem:$0x3FD9]  }
0x89: {  	s3 =	sld [smem:$0x3FFE];
	_ =	sdelay $0x1  }
0x8a: {  	s1 =	srdreg.scid  }
0x8b: {  	s0 =	sand.u32 $0x1, s1  }
0x8c: {  	s16 =	sshll.u32 s0, $0xA;
	s2 =	sadd.s32 s3, s2  }
0x8d: {  	s2 =	sadd.s32 s2, s16  }
0x8e: {  	[smem:$0x3FBE] =	sst s2  }
0x8f: {  	_ = 	snop  }
0x90: {  	(tm) =	ssettm $0x1  }
0x91: {  	s17 =	sld [smem:$0x3FFB];
	_ =	sdelay $0x3  }
0x92: {  	_ =	strace s17  }
0x93: {  	s2 =	sld [smem:$0x3FFC];
	_ =	sdelay $0x3  }
0x94: {  	_ =	strace s2  }
0x95: {  	s2 =	sld [smem:$0x3FFD];
	_ =	sdelay $0x3  }
0x96: {  	_ =	strace s2  }
0x97: {  	_ =	strace $0x8FFFFFFF  }
0x98: {  	s18 =	sld [smem:$0x3FDB];
	_ =	sdelay $0x1  }
0x99: {  	s19 =	simm.s32 $_scs_section_size  }
0x9a: {  	s4 =	simm.s32 $_size__tile_overlayer_lowered;
	s5 =	simm.s32 $_tile_overlayer_lowered  }
0x9b: {  	s22 =	simm.s32 $0x1BFF;
	s21 =	sshll.u32 s5, $0x1;
	s2 =	sadd.s32 s19, s18  }
0x9c: {  	s6 =	simm.s32 $0x0;
	s20 =	sshll.u32 s4, $0x1;
	s4 =	sadd.s32 s21, s2  }
0x9d: {  	[timem:s6], [sflag:s22] =	dma.local [hbm:s4], s20  }
0x9e: {  	_ =	swait.ge [sflag:s22], s20  }
0x9f: {  	s3 =	ssub.s32 $0x0, s20;
	[sflag:s22] =	ssyncset.done $0x0  }
0xa0: {  	[sflag:s22] =	ssyncadd.s32 s3;
	_ =	sdelay $0x1  }
0xa1: {  	s23 =	simm.s32 $0x1B8B  }
0xa2: {  	_ =	swait.ge [sflag:s23], $0x1  }
0xa3: {  	[sflag:s23] =	ssyncset.done $0x0  }
0xa4: {  	s25 =	simm.s32 $0x1B8E;
	s24 =	sld [smem:$0x3FFE];
	[sflag:s23] =	ssyncadd.s32 $0xFFFFFFFF  }
0xa5: {  	s26 =	simm.s32 $execute0_lowered;
	[smem:$0x3FD2] =	sst s25  }
0xa6: {  	s4 =	sshll.u32 s26, $0x1;
	_ =	strace $0x80000049;
	[dreg:$0x1] =	wrdreg $0xFFFFFFFF  }
0xa7: {  	s28 =	simm.s32 $_size_execute0_lowered;
	s2 =	sadd.s32 s2, s4;
	[dreg:$0x0] =	wrdreg $0x0  }
0xa8: {  	s4 =	sshll.u32 s28, $0x1;
	[dreg:$0x2] =	wrdreg s2  }
0xa9: {  	[dreg:$0x3] =	wrdreg s4  }
0xaa: {  	[dreg:$0x4] =	wrdreg $0xC0  }
0xab: {  	_ =	task [dreg:s6], $0x5FFFF  }
0xac: {  	[dreg:$0x1] =	wrdreg $0xFFFFFFFF  }
0xad: {  	[dreg:$0x0] =	wrdreg $0x60  }
0xae: {  	[dreg:$0x2] =	wrdreg s24  }
0xaf: {  	[dreg:$0x3] =	wrdreg $0xD0000  }
0xb0: {  	[dreg:$0x4] =	wrdreg $0x9  }
0xb1: {  	_ =	task.clear_ibuf [dreg:s6], $0x5FFFF;
	_ =	strace $0x90000049  }
0xb2: {  	s29 =	simm.s32 $0x9;
	_ =	strace $0x8000004B  }
0xb3: {  	_ =	swait.ge [sflag:s29], $0x1  }
0xb4: {  	[sflag:s29] =	ssyncadd.s32 $0xFFFFFFFF  }
0xb5: {  	_ =	strace $0x9000004B  }
0xb6: {  	_ =	sfence  }
0xb7: {  	s30 =	sld [smem:$0x0];
	_ =	sdelay $0x2  }
0xb8: {  	s31 =	sshll.u32 s1, $0xD;
	s1 =	sshrl.u32 s1, $0x2  }
0xb9: {  	s3 =	sand.u32 $0x4000, s31;
	s1 =	sadd.s32 s1, s30  }
0xba: {  	s0 =	sor.u32 s3, s0;
	s1 =	sshll.u32 s1, $0x11  }
0xbb: {  	s0 =	sor.u32 s1, s0  }
0xbc: {  	s0 =	sadd.s32 $0x8F2B, s0  }
0xbd: {  	[sflag:s0] =	ssyncadd.remote.s32 $0x1  }
0xbe: {  	_ =	sfence.sel $0xFFFF  }
0xbf: {  	[dreg:$0x0] =	wrdreg $0xFFFFFFFF;
	(pc) =	sbr.abs _section_cstart, $3  }
0xc0: {  	[dreg:$0x1] =	wrdreg $0xFFFFFFFF  }
0xc1: {  	_ =	task.clear_ibuf [dreg:s6], $0x2FFFF;
	_ =	strace $0x9FFFFFFF  }
0xc2: {  	(tm) =	ssettm $0x7FFFFFFF  }
0xc3: {  	_ =	shalt  }
tec
execute0_lowered:
.L_overlay_start_1:
0x0: {  	(tag) =	ssettag $0x1  }
0x1: {  	s0 =	srdreg.scid;
	s1 =	rddreg [dreg:$0x0]  }
0x2: {  	s9 =	stileid.u32;
	s2 =	rddreg [dreg:$0x1]  }
0x3: {  	s3 =	simm.s32 $0x0;
	s16 =	simm.s32 $0x5000;
	s5 =	smul.u32 $0x5000, s9  }
0x4: {  	s28 =	simm.s32 $0x3;
	s29 =	simm.s32 $0x4;
	s6 =	smul.u32 $0xA000, s9  }
0x5: {  	s30 =	simm.s32 $0x5;
	s0 =	sand.u32 $0x1, s0;
	s18 =	smul.u32 $0x28000, s9  }
0x6: {  	s31 =	simm.s32 $0x6;
	[smem:$0x7FF] =	sst s3;
	s4 =	smul.u32 $0x50000, s0  }
0x7: {  	s9 =	simm.s32 $0x4F80;
	s7 =	smul.u32 $0xA0000, s0;
	s0 =	ssub.s32 $0x2, s0  }
0x8: {  	_ =	strace $0x8000004A;
	s17 =	sshrl.u32 s5, $0x3;
	s20 =	sshrl.u32 s0, $0x1  }
0x9: {  	s4 =	sadd.s32 s5, s4;
	s19 =	sadd.s32 s17, s1;
	s7 =	sadd.s32 s6, s7  }
0xa: {  	s5 =	sshrl.u32 s18, $0x2;
	s0 =	ssub.s32 s0, s20;
	s17 =	simm.s32 $0x9  }
0xb: {  	s20 =	simm.s32 $0x7000;
	s4 =	sshrl.u32 s4, $0x3;
	s7 =	sshrl.u32 s7, $0x3  }
0xc: {  	s10 =	sadd.s32 s5, s2;
	s5 =	sadd.s32 s6, s2;
	s26 =	sadd.s32 $0x15E00, s19  }
0xd: {  	s13 =	sadd.s32 $0x16300, s19;
	s15 =	smax.u32 s0, $0x1;
	s19 =	simm.s32 $0x80  }
0xe: {  	s0 =	simm.s32 $0x8;
	s6 =	simm.s32 $0x4E00;
	s8 =	sadd.s32 s4, s1  }
0xf: {  	s4 =	sadd.s32 $0x83E00, s1;
	s21 =	sadd.s32 $0x2000, s10;
	[dreg:$0x8] =	wrdreg s26  }
0x10: {  	s1 =	sadd.s32 s7, s1;
	s22 =	sadd.s32 $0x4000, s10;
	[dreg:$0x3] =	wrdreg s21  }
0x11: {  	s23 =	sadd.s32 $0x6000, s10;
	s24 =	sadd.s32 $0x8000, s10;
	[dreg:$0x4] =	wrdreg s22  }
0x12: {  	s26 =	simm.s32 $0x2;
	s7 =	simm.s32 $0x4E80;
	[dreg:$0x5] =	wrdreg s23  }
0x13: {  	[dreg:$0x6] =	wrdreg s24;
	s25 =	sadd.s32 $0x1FE00, s8;
	s12 =	sadd.s32 $0x20300, s8  }
0x14: {  	s14 =	sadd.s32 $0xABE00, s1;
	s21 =	simm.s32 $0x100;
	s22 =	simm.s32 $0x9000  }
0x15: {  	s23 =	simm.s32 $0x180;
	s24 =	simm.s32 $0xB000;
	s1 =	simm.s32 $0x7  }
0x16: {  	v0 =	vimm.f32 $0.0e+00;
	s8 =	simm.s32 $0x4F00;
	[dreg:$0x7] =	wrdreg s25;
	s25 =	simm.s32 $0x1  }
.LBB2_1:
0x17: {  	s11 =	simm.s32 $0x100;
	s10 =	simm.s32 $0x0  }
.LBB2_2:
0x18: {  	p0 =	sne.s32 s11, $0x7F00;
	[tilespmem:s10+$0x5030] =	vst v0;
	s18 =	smov.u32 s11;
	s11 =	sadd.s32 $0x100, s11  }
.Ltmp0:
0x19: {  	[tilespmem:s10+$0x5020] =	vst v0;
	(pc) =	sbr.rel @p0 .LBB2_2-.Ltmp0, $3  }
0x1a: {  	[tilespmem:s10+$0x5000] =	vst v0  }
0x1b: {  	[tilespmem:s10+$0x5010] =	vst v0;
	_ =	sdelay $0x1  }
0x1c: {  	s10 =	sshra.s32 s18, $0x2  }
0x1d: {  	[tilespmem:s10+$0x5030] =	vst v0  }
0x1e: {  	[tilespmem:s10+$0x5020] =	vst v0  }
0x1f: {  	[tilespmem:s10+$0x5000] =	vst v0  }
0x20: {  	[tilespmem:s10+$0x5010] =	vst v0  }
0x21: {  	[spmem:s5] =	stream.linear.scatter [tilespmem:s16], [sflag:$0x9], $0x2000, $0x38;
	[tilespmem:$0x17000] =	vst v63  }
0x22: {  	_ =	swait.ge [sflag:s17], $0x2000  }
0x23: {  	[sflag:s17] =	ssyncset.done $0x0  }
0x24: {  	s18 =	rddreg [dreg:$0x3];
	[sflag:s17] =	ssyncadd.s32 $0xFFFFE000  }
0x25: {  	[spmem:s18] =	stream.linear.scatter [tilespmem:s16], [sflag:$0x9], $0x2000, $0x38;
	[tilespmem:$0x17000] =	vst v63  }
0x26: {  	_ =	swait.ge [sflag:s17], $0x2000  }
0x27: {  	[sflag:s17] =	ssyncset.done $0x0  }
0x28: {  	s11 =	rddreg [dreg:$0x4];
	[sflag:s17] =	ssyncadd.s32 $0xFFFFE000  }
0x29: {  	[spmem:s11] =	stream.linear.scatter [tilespmem:s16], [sflag:$0x9], $0x2000, $0x38;
	[tilespmem:$0x17000] =	vst v63  }
0x2a: {  	_ =	swait.ge [sflag:s17], $0x2000  }
0x2b: {  	[sflag:s17] =	ssyncset.done $0x0  }
0x2c: {  	s18 =	rddreg [dreg:$0x5];
	[sflag:s17] =	ssyncadd.s32 $0xFFFFE000  }
0x2d: {  	[spmem:s18] =	stream.linear.scatter [tilespmem:s16], [sflag:$0x9], $0x2000, $0x38;
	[tilespmem:$0x17000] =	vst v63  }
0x2e: {  	_ =	swait.ge [sflag:s17], $0x2000  }
0x2f: {  	[sflag:s17] =	ssyncset.done $0x0  }
0x30: {  	s11 =	rddreg [dreg:$0x6];
	[sflag:s17] =	ssyncadd.s32 $0xFFFFE000  }
0x31: {  	[spmem:s11] =	stream.linear.scatter [tilespmem:s16], [sflag:$0x9], $0x2000, $0x38;
	[tilespmem:$0x17000] =	vst v63  }
0x32: {  	_ =	swait.ge [sflag:s17], $0x2000  }
0x33: {  	[sflag:s17] =	ssyncset.done $0x0  }
0x34: {  	[sflag:s17] =	ssyncadd.s32 $0xFFFFE000  }
0x35: {  	[bflag:$0x0] =	sbarrier.arrive $0xFFFF  }
0x36: {  	s10 =	simm.s32 $0x0;
	s11 =	rddreg [dreg:$0x7]  }
0x37: {  	[tilespmem:s10], [sflag:$0x9] =	stream.linear.gather [hbm4b:s11+s10], $0x2800, $0x38;
	[tilespmem:$0x17000] =	vst v63  }
0x38: {  	_ =	swait.ge [sflag:s17], $0x2800  }
0x39: {  	[sflag:s17] =	ssyncset.done $0x0  }
0x3a: {  	s18 =	simm.s32 $0x2800;
	s11 =	rddreg [dreg:$0x8];
	[sflag:s17] =	ssyncadd.s32 $0xFFFFD800  }
0x3b: {  	[tilespmem:s18], [sflag:$0x9] =	stream.linear.gather [hbm4b:s11+s10], $0x2800, $0x38;
	[tilespmem:$0x17000] =	vst v63  }
0x3c: {  	_ =	swait.ge [sflag:s17], $0x2800  }
0x3d: {  	[sflag:s17] =	ssyncset.done $0x0  }
0x3e: {  	[sflag:s17] =	ssyncadd.s32 $0xFFFFD800  }
0x3f: {  	[tilespmem:s16], [sflag:$0x1] =	stream.indirect.gather [hbm4b:s4+s19], $0x40, s10, s19, $0xb8;
	[tilespmem:$0x17000] =	vst v63  }
0x40: {  	_ = 	snop  }
0x41: {  	[tilespmem:s20], [sflag:$0x2] =	stream.indirect.gather [hbm4b:s4+s19], $0x40, s19, s19, $0xb8;
	[tilespmem:$0x17000] =	vst v63  }
0x42: {  	_ = 	snop  }
0x43: {  	[tilespmem:s22], [sflag:$0x3] =	stream.indirect.gather [hbm4b:s4+s19], $0x40, s21, s19, $0xb8;
	[tilespmem:$0x17000] =	vst v63  }
0x44: {  	_ = 	snop  }
0x45: {  	[tilespmem:s24], [sflag:$0x4] =	stream.indirect.gather [hbm4b:s4+s19], $0x40, s23, s19, $0xb8;
	[tilespmem:$0x17000] =	vst v63  }
0x46: {  	_ =	swait.ge [sflag:s25], $0x2000  }
0x47: {  	[sflag:s25] =	ssyncset.done $0x0  }
0x48: {  	s18 =	simm.s32 $0x2800;
	[sflag:s25] =	ssyncadd.s32 $0xFFFFE000  }
0x49: {  	[spmem:s2] =	stream.indirect.scatter.add.f32 [tilespmem:s16], [sflag:$0x5], $0x40, s18, s19, $0xb8;
	[tilespmem:$0x17000] =	vst v63  }
0x4a: {  	_ =	swait.ge [sflag:s26], $0x2000  }
0x4b: {  	[sflag:s26] =	ssyncset.done $0x0  }
0x4c: {  	s11 =	simm.s32 $0x2880;
	[sflag:s26] =	ssyncadd.s32 $0xFFFFE000  }
0x4d: {  	[spmem:s2] =	stream.indirect.scatter.add.f32 [tilespmem:s20], [sflag:$0x6], $0x40, s11, s19, $0xb8;
	[tilespmem:$0x17000] =	vst v63  }
0x4e: {  	_ =	swait.ge [sflag:s28], $0x2000  }
0x4f: {  	[sflag:s28] =	ssyncset.done $0x0  }
0x50: {  	s18 =	simm.s32 $0x2900;
	[sflag:s28] =	ssyncadd.s32 $0xFFFFE000  }
0x51: {  	[spmem:s2] =	stream.indirect.scatter.add.f32 [tilespmem:s22], [sflag:$0x7], $0x40, s18, s19, $0xb8;
	[tilespmem:$0x17000] =	vst v63  }
0x52: {  	_ =	swait.ge [sflag:s29], $0x2000  }
0x53: {  	[sflag:s29] =	ssyncset.done $0x0  }
0x54: {  	s11 =	simm.s32 $0x2980;
	[sflag:s29] =	ssyncadd.s32 $0xFFFFE000  }
0x55: {  	[spmem:s2] =	stream.indirect.scatter.add.f32 [tilespmem:s24], [sflag:$0x8], $0x40, s11, s19, $0xb8;
	[tilespmem:$0x17000] =	vst v63  }
0x56: {  	_ =	swait.ge [sflag:s30], $0x2000  }
0x57: {  	[sflag:s30] =	ssyncset.done $0x0  }
0x58: {  	s18 =	simm.s32 $0x200;
	[sflag:s30] =	ssyncadd.s32 $0xFFFFE000  }
0x59: {  	[tilespmem:s16], [sflag:$0x1] =	stream.indirect.gather [hbm4b:s4+s19], $0x40, s18, s19, $0xb8;
	[tilespmem:$0x17000] =	vst v63  }
0x5a: {  	_ =	swait.ge [sflag:s31], $0x2000  }
0x5b: {  	[sflag:s31] =	ssyncset.done $0x0  }
0x5c: {  	s11 =	simm.s32 $0x280;
	[sflag:s31] =	ssyncadd.s32 $0xFFFFE000  }
0x5d: {  	[tilespmem:s20], [sflag:$0x2] =	stream.indirect.gather [hbm4b:s4+s19], $0x40, s11, s19, $0xb8;
	[tilespmem:$0x17000] =	vst v63  }
0x5e: {  	_ =	swait.ge [sflag:s1], $0x2000  }
0x5f: {  	[sflag:s1] =	ssyncset.done $0x0  }
0x60: {  	s18 =	simm.s32 $0x300;
	[sflag:s1] =	ssyncadd.s32 $0xFFFFE000  }
0x61: {  	[tilespmem:s22], [sflag:$0x3] =	stream.indirect.gather [hbm4b:s4+s19], $0x40, s18, s19, $0xb8;
	[tilespmem:$0x17000] =	vst v63  }
0x62: {  	_ =	swait.ge [sflag:s0], $0x2000  }
0x63: {  	[sflag:s0] =	ssyncset.done $0x0  }
0x64: {  	s10 =	simm.s32 $0x800;
	s11 =	simm.s32 $0x380;
	[sflag:s0] =	ssyncadd.s32 $0xFFFFE000  }
.LBB2_4:
0x65: {  	[tilespmem:s24], [sflag:$0x4] =	stream.indirect.gather [hbm4b:s4+s19], $0x40, s11, s19, $0xb8;
	[tilespmem:$0x17000] =	vst v63  }
0x66: {  	s11 =	smov.u32 s10  }
0x67: {  	p0 =	sne.s32 s10, $0x9000;
	s10 =	sadd.s32 $0x800, s10;
	_ =	swait.ge [sflag:s25], $0x2000  }
0x68: {  	s11 =	sshra.s32 s11, $0x2;
	[sflag:s25] =	ssyncset.done $0x0  }
0x69: {  	s18 =	sadd.s32 $0x2800, s11;
	[sflag:s25] =	ssyncadd.s32 $0xFFFFE000  }
0x6a: {  	[spmem:s2] =	stream.indirect.scatter.add.f32 [tilespmem:s16], [sflag:$0x5], $0x40, s18, s19, $0xb8;
	[tilespmem:$0x17000] =	vst v63  }
0x6b: {  	_ =	swait.ge [sflag:s26], $0x2000  }
0x6c: {  	[sflag:s26] =	ssyncset.done $0x0  }
0x6d: {  	s18 =	sadd.s32 $0x2880, s11;
	[sflag:s26] =	ssyncadd.s32 $0xFFFFE000  }
0x6e: {  	[spmem:s2] =	stream.indirect.scatter.add.f32 [tilespmem:s20], [sflag:$0x6], $0x40, s18, s19, $0xb8;
	[tilespmem:$0x17000] =	vst v63  }
0x6f: {  	_ =	swait.ge [sflag:s28], $0x2000  }
0x70: {  	[sflag:s28] =	ssyncset.done $0x0  }
0x71: {  	s18 =	sadd.s32 $0x2900, s11;
	[sflag:s28] =	ssyncadd.s32 $0xFFFFE000  }
0x72: {  	[spmem:s2] =	stream.indirect.scatter.add.f32 [tilespmem:s22], [sflag:$0x7], $0x40, s18, s19, $0xb8;
	[tilespmem:$0x17000] =	vst v63  }
0x73: {  	_ =	swait.ge [sflag:s29], $0x2000  }
0x74: {  	[sflag:s29] =	ssyncset.done $0x0  }
0x75: {  	s18 =	sadd.s32 $0x2980, s11;
	[sflag:s29] =	ssyncadd.s32 $0xFFFFE000  }
0x76: {  	[spmem:s2] =	stream.indirect.scatter.add.f32 [tilespmem:s24], [sflag:$0x8], $0x40, s18, s19, $0xb8;
	[tilespmem:$0x17000] =	vst v63  }
0x77: {  	_ =	swait.ge [sflag:s30], $0x2000  }
0x78: {  	[sflag:s30] =	ssyncset.done $0x0  }
0x79: {  	s18 =	sadd.s32 $0x200, s11;
	[sflag:s30] =	ssyncadd.s32 $0xFFFFE000  }
0x7a: {  	[tilespmem:s16], [sflag:$0x1] =	stream.indirect.gather [hbm4b:s4+s19], $0x40, s18, s19, $0xb8;
	[tilespmem:$0x17000] =	vst v63  }
0x7b: {  	_ =	swait.ge [sflag:s31], $0x2000  }
0x7c: {  	[sflag:s31] =	ssyncset.done $0x0  }
0x7d: {  	s18 =	sadd.s32 $0x280, s11;
	[sflag:s31] =	ssyncadd.s32 $0xFFFFE000  }
0x7e: {  	[tilespmem:s20], [sflag:$0x2] =	stream.indirect.gather [hbm4b:s4+s19], $0x40, s18, s19, $0xb8;
	[tilespmem:$0x17000] =	vst v63  }
0x7f: {  	_ =	swait.ge [sflag:s1], $0x2000  }
0x80: {  	[sflag:s1] =	ssyncset.done $0x0  }
.Ltmp1:
0x81: {  	s18 =	sadd.s32 $0x300, s11;
	[sflag:s1] =	ssyncadd.s32 $0xFFFFE000;
	(pc) =	sbr.rel @p0 .LBB2_4-.Ltmp1, $4  }
0x82: {  	[tilespmem:s22], [sflag:$0x3] =	stream.indirect.gather [hbm4b:s4+s19], $0x40, s18, s19, $0xb8;
	[tilespmem:$0x17000] =	vst v63  }
0x83: {  	_ =	swait.ge [sflag:s0], $0x2000  }
0x84: {  	[sflag:s0] =	ssyncset.done $0x0  }
0x85: {  	s11 =	sadd.s32 $0x380, s11;
	[sflag:s0] =	ssyncadd.s32 $0xFFFFE000  }
0x86: {  	[tilespmem:s24], [sflag:$0x4] =	stream.indirect.gather [hbm4b:s4+s19], $0x40, s11, s19, $0xb8;
	[tilespmem:$0x17000] =	vst v63  }
0x87: {  	_ =	swait.ge [sflag:s25], $0x2000  }
0x88: {  	[sflag:s25] =	ssyncset.done $0x0  }
0x89: {  	[sflag:s25] =	ssyncadd.s32 $0xFFFFE000  }
0x8a: {  	[spmem:s2] =	stream.indirect.scatter.add.f32 [tilespmem:s16], [sflag:$0x5], $0x40, s6, s19, $0xb8;
	[tilespmem:$0x17000] =	vst v63  }
0x8b: {  	_ =	swait.ge [sflag:s26], $0x2000  }
0x8c: {  	[sflag:s26] =	ssyncset.done $0x0  }
0x8d: {  	[sflag:s26] =	ssyncadd.s32 $0xFFFFE000  }
0x8e: {  	[spmem:s2] =	stream.indirect.scatter.add.f32 [tilespmem:s20], [sflag:$0x6], $0x40, s7, s19, $0xb8;
	[tilespmem:$0x17000] =	vst v63  }
0x8f: {  	_ =	swait.ge [sflag:s28], $0x2000  }
0x90: {  	[sflag:s28] =	ssyncset.done $0x0  }
0x91: {  	[sflag:s28] =	ssyncadd.s32 $0xFFFFE000  }
0x92: {  	[spmem:s2] =	stream.indirect.scatter.add.f32 [tilespmem:s22], [sflag:$0x7], $0x40, s8, s19, $0xb8;
	[tilespmem:$0x17000] =	vst v63  }
0x93: {  	_ =	swait.ge [sflag:s29], $0x2000  }
0x94: {  	[sflag:s29] =	ssyncset.done $0x0  }
0x95: {  	[sflag:s29] =	ssyncadd.s32 $0xFFFFE000  }
0x96: {  	[spmem:s2] =	stream.indirect.scatter.add.f32 [tilespmem:s24], [sflag:$0x8], $0x40, s9, s19, $0xb8;
	[tilespmem:$0x17000] =	vst v63  }
0x97: {  	_ =	swait.ge [sflag:s30], $0x2000  }
0x98: {  	[sflag:s30] =	ssyncset.done $0x0  }
0x99: {  	[sflag:s30] =	ssyncadd.s32 $0xFFFFE000  }
0x9a: {  	_ =	swait.ge [sflag:s31], $0x2000  }
0x9b: {  	[sflag:s31] =	ssyncset.done $0x0  }
0x9c: {  	[sflag:s31] =	ssyncadd.s32 $0xFFFFE000  }
0x9d: {  	_ =	swait.ge [sflag:s1], $0x2000  }
0x9e: {  	[sflag:s1] =	ssyncset.done $0x0  }
0x9f: {  	[sflag:s1] =	ssyncadd.s32 $0xFFFFE000  }
0xa0: {  	_ =	swait.ge [sflag:s0], $0x2000  }
0xa1: {  	[sflag:s0] =	ssyncset.done $0x0  }
0xa2: {  	s10 =	simm.s32 $0x0;
	[sflag:s0] =	ssyncadd.s32 $0xFFFFE000  }
0xa3: {  	[tilespmem:s10], [sflag:$0x9] =	stream.linear.gather [hbm4b:s12+s10], $0x2800, $0x38;
	[tilespmem:$0x17000] =	vst v63  }
0xa4: {  	_ =	swait.ge [sflag:s17], $0x2800  }
0xa5: {  	[sflag:s17] =	ssyncset.done $0x0  }
0xa6: {  	s18 =	simm.s32 $0x2800;
	[sflag:s17] =	ssyncadd.s32 $0xFFFFD800  }
0xa7: {  	[tilespmem:s18], [sflag:$0x9] =	stream.linear.gather [hbm4b:s13+s10], $0x2800, $0x38;
	[tilespmem:$0x17000] =	vst v63  }
0xa8: {  	_ =	swait.ge [sflag:s17], $0x2800  }
0xa9: {  	[sflag:s17] =	ssyncset.done $0x0  }
0xaa: {  	[sflag:s17] =	ssyncadd.s32 $0xFFFFD800  }
0xab: {  	[tilespmem:s16], [sflag:$0x1] =	stream.indirect.gather [hbm4b:s4+s19], $0x40, s10, s19, $0xb8;
	[tilespmem:$0x17000] =	vst v63  }
0xac: {  	_ = 	snop  }
0xad: {  	[tilespmem:s20], [sflag:$0x2] =	stream.indirect.gather [hbm4b:s4+s19], $0x40, s19, s19, $0xb8;
	[tilespmem:$0x17000] =	vst v63  }
0xae: {  	_ = 	snop  }
0xaf: {  	[tilespmem:s22], [sflag:$0x3] =	stream.indirect.gather [hbm4b:s4+s19], $0x40, s21, s19, $0xb8;
	[tilespmem:$0x17000] =	vst v63  }
0xb0: {  	_ = 	snop  }
0xb1: {  	[tilespmem:s24], [sflag:$0x4] =	stream.indirect.gather [hbm4b:s4+s19], $0x40, s23, s19, $0xb8;
	[tilespmem:$0x17000] =	vst v63  }
0xb2: {  	_ =	swait.ge [sflag:s25], $0x2000  }
0xb3: {  	[sflag:s25] =	ssyncset.done $0x0  }
0xb4: {  	s18 =	simm.s32 $0x2800;
	[sflag:s25] =	ssyncadd.s32 $0xFFFFE000  }
0xb5: {  	[spmem:s2] =	stream.indirect.scatter.add.f32 [tilespmem:s16], [sflag:$0x5], $0x40, s18, s19, $0xb8;
	[tilespmem:$0x17000] =	vst v63  }
0xb6: {  	_ =	swait.ge [sflag:s26], $0x2000  }
0xb7: {  	[sflag:s26] =	ssyncset.done $0x0  }
0xb8: {  	s11 =	simm.s32 $0x2880;
	[sflag:s26] =	ssyncadd.s32 $0xFFFFE000  }
0xb9: {  	[spmem:s2] =	stream.indirect.scatter.add.f32 [tilespmem:s20], [sflag:$0x6], $0x40, s11, s19, $0xb8;
	[tilespmem:$0x17000] =	vst v63  }
0xba: {  	_ =	swait.ge [sflag:s28], $0x2000  }
0xbb: {  	[sflag:s28] =	ssyncset.done $0x0  }
0xbc: {  	s18 =	simm.s32 $0x2900;
	[sflag:s28] =	ssyncadd.s32 $0xFFFFE000  }
0xbd: {  	[spmem:s2] =	stream.indirect.scatter.add.f32 [tilespmem:s22], [sflag:$0x7], $0x40, s18, s19, $0xb8;
	[tilespmem:$0x17000] =	vst v63  }
0xbe: {  	_ =	swait.ge [sflag:s29], $0x2000  }
0xbf: {  	[sflag:s29] =	ssyncset.done $0x0  }
0xc0: {  	s11 =	simm.s32 $0x2980;
	[sflag:s29] =	ssyncadd.s32 $0xFFFFE000  }
0xc1: {  	[spmem:s2] =	stream.indirect.scatter.add.f32 [tilespmem:s24], [sflag:$0x8], $0x40, s11, s19, $0xb8;
	[tilespmem:$0x17000] =	vst v63  }
0xc2: {  	_ =	swait.ge [sflag:s30], $0x2000  }
0xc3: {  	[sflag:s30] =	ssyncset.done $0x0  }
0xc4: {  	s18 =	simm.s32 $0x200;
	[sflag:s30] =	ssyncadd.s32 $0xFFFFE000  }
0xc5: {  	[tilespmem:s16], [sflag:$0x1] =	stream.indirect.gather [hbm4b:s4+s19], $0x40, s18, s19, $0xb8;
	[tilespmem:$0x17000] =	vst v63  }
0xc6: {  	_ =	swait.ge [sflag:s31], $0x2000  }
0xc7: {  	[sflag:s31] =	ssyncset.done $0x0  }
0xc8: {  	s11 =	simm.s32 $0x280;
	[sflag:s31] =	ssyncadd.s32 $0xFFFFE000  }
0xc9: {  	[tilespmem:s20], [sflag:$0x2] =	stream.indirect.gather [hbm4b:s4+s19], $0x40, s11, s19, $0xb8;
	[tilespmem:$0x17000] =	vst v63  }
0xca: {  	_ =	swait.ge [sflag:s1], $0x2000  }
0xcb: {  	[sflag:s1] =	ssyncset.done $0x0  }
0xcc: {  	s18 =	simm.s32 $0x300;
	[sflag:s1] =	ssyncadd.s32 $0xFFFFE000  }
0xcd: {  	[tilespmem:s22], [sflag:$0x3] =	stream.indirect.gather [hbm4b:s4+s19], $0x40, s18, s19, $0xb8;
	[tilespmem:$0x17000] =	vst v63  }
0xce: {  	_ =	swait.ge [sflag:s0], $0x2000  }
0xcf: {  	[sflag:s0] =	ssyncset.done $0x0  }
0xd0: {  	s10 =	simm.s32 $0x800;
	s11 =	simm.s32 $0x380;
	[sflag:s0] =	ssyncadd.s32 $0xFFFFE000  }
.LBB2_6:
0xd1: {  	[tilespmem:s24], [sflag:$0x4] =	stream.indirect.gather [hbm4b:s4+s19], $0x40, s11, s19, $0xb8;
	[tilespmem:$0x17000] =	vst v63  }
0xd2: {  	s11 =	smov.u32 s10  }
0xd3: {  	p0 =	sne.s32 s10, $0x9000;
	s10 =	sadd.s32 $0x800, s10;
	_ =	swait.ge [sflag:s25], $0x2000  }
0xd4: {  	s11 =	sshra.s32 s11, $0x2;
	[sflag:s25] =	ssyncset.done $0x0  }
0xd5: {  	s18 =	sadd.s32 $0x2800, s11;
	[sflag:s25] =	ssyncadd.s32 $0xFFFFE000  }
0xd6: {  	[spmem:s2] =	stream.indirect.scatter.add.f32 [tilespmem:s16], [sflag:$0x5], $0x40, s18, s19, $0xb8;
	[tilespmem:$0x17000] =	vst v63  }
0xd7: {  	_ =	swait.ge [sflag:s26], $0x2000  }
0xd8: {  	[sflag:s26] =	ssyncset.done $0x0  }
0xd9: {  	s18 =	sadd.s32 $0x2880, s11;
	[sflag:s26] =	ssyncadd.s32 $0xFFFFE000  }
0xda: {  	[spmem:s2] =	stream.indirect.scatter.add.f32 [tilespmem:s20], [sflag:$0x6], $0x40, s18, s19, $0xb8;
	[tilespmem:$0x17000] =	vst v63  }
0xdb: {  	_ =	swait.ge [sflag:s28], $0x2000  }
0xdc: {  	[sflag:s28] =	ssyncset.done $0x0  }
0xdd: {  	s18 =	sadd.s32 $0x2900, s11;
	[sflag:s28] =	ssyncadd.s32 $0xFFFFE000  }
0xde: {  	[spmem:s2] =	stream.indirect.scatter.add.f32 [tilespmem:s22], [sflag:$0x7], $0x40, s18, s19, $0xb8;
	[tilespmem:$0x17000] =	vst v63  }
0xdf: {  	_ =	swait.ge [sflag:s29], $0x2000  }
0xe0: {  	[sflag:s29] =	ssyncset.done $0x0  }
0xe1: {  	s18 =	sadd.s32 $0x2980, s11;
	[sflag:s29] =	ssyncadd.s32 $0xFFFFE000  }
0xe2: {  	[spmem:s2] =	stream.indirect.scatter.add.f32 [tilespmem:s24], [sflag:$0x8], $0x40, s18, s19, $0xb8;
	[tilespmem:$0x17000] =	vst v63  }
0xe3: {  	_ =	swait.ge [sflag:s30], $0x2000  }
0xe4: {  	[sflag:s30] =	ssyncset.done $0x0  }
0xe5: {  	s18 =	sadd.s32 $0x200, s11;
	[sflag:s30] =	ssyncadd.s32 $0xFFFFE000  }
0xe6: {  	[tilespmem:s16], [sflag:$0x1] =	stream.indirect.gather [hbm4b:s4+s19], $0x40, s18, s19, $0xb8;
	[tilespmem:$0x17000] =	vst v63  }
0xe7: {  	_ =	swait.ge [sflag:s31], $0x2000  }
0xe8: {  	[sflag:s31] =	ssyncset.done $0x0  }
0xe9: {  	s18 =	sadd.s32 $0x280, s11;
	[sflag:s31] =	ssyncadd.s32 $0xFFFFE000  }
0xea: {  	[tilespmem:s20], [sflag:$0x2] =	stream.indirect.gather [hbm4b:s4+s19], $0x40, s18, s19, $0xb8;
	[tilespmem:$0x17000] =	vst v63  }
0xeb: {  	_ =	swait.ge [sflag:s1], $0x2000  }
0xec: {  	[sflag:s1] =	ssyncset.done $0x0  }
.Ltmp2:
0xed: {  	s18 =	sadd.s32 $0x300, s11;
	[sflag:s1] =	ssyncadd.s32 $0xFFFFE000;
	(pc) =	sbr.rel @p0 .LBB2_6-.Ltmp2, $4  }
0xee: {  	[tilespmem:s22], [sflag:$0x3] =	stream.indirect.gather [hbm4b:s4+s19], $0x40, s18, s19, $0xb8;
	[tilespmem:$0x17000] =	vst v63  }
0xef: {  	_ =	swait.ge [sflag:s0], $0x2000  }
0xf0: {  	[sflag:s0] =	ssyncset.done $0x0  }
0xf1: {  	s11 =	sadd.s32 $0x380, s11;
	[sflag:s0] =	ssyncadd.s32 $0xFFFFE000  }
0xf2: {  	[tilespmem:s24], [sflag:$0x4] =	stream.indirect.gather [hbm4b:s4+s19], $0x40, s11, s19, $0xb8;
	[tilespmem:$0x17000] =	vst v63  }
0xf3: {  	_ =	swait.ge [sflag:s25], $0x2000  }
0xf4: {  	[sflag:s25] =	ssyncset.done $0x0  }
0xf5: {  	[sflag:s25] =	ssyncadd.s32 $0xFFFFE000  }
0xf6: {  	[spmem:s2] =	stream.indirect.scatter.add.f32 [tilespmem:s16], [sflag:$0x5], $0x40, s6, s19, $0xb8;
	[tilespmem:$0x17000] =	vst v63  }
0xf7: {  	_ =	swait.ge [sflag:s26], $0x2000  }
0xf8: {  	[sflag:s26] =	ssyncset.done $0x0  }
0xf9: {  	[sflag:s26] =	ssyncadd.s32 $0xFFFFE000  }
0xfa: {  	[spmem:s2] =	stream.indirect.scatter.add.f32 [tilespmem:s20], [sflag:$0x6], $0x40, s7, s19, $0xb8;
	[tilespmem:$0x17000] =	vst v63  }
0xfb: {  	_ =	swait.ge [sflag:s28], $0x2000  }
0xfc: {  	[sflag:s28] =	ssyncset.done $0x0  }
0xfd: {  	[sflag:s28] =	ssyncadd.s32 $0xFFFFE000  }
0xfe: {  	[spmem:s2] =	stream.indirect.scatter.add.f32 [tilespmem:s22], [sflag:$0x7], $0x40, s8, s19, $0xb8;
	[tilespmem:$0x17000] =	vst v63  }
0xff: {  	_ =	swait.ge [sflag:s29], $0x2000  }
0x100: {  	[sflag:s29] =	ssyncset.done $0x0  }
0x101: {  	[sflag:s29] =	ssyncadd.s32 $0xFFFFE000  }
0x102: {  	[spmem:s2] =	stream.indirect.scatter.add.f32 [tilespmem:s24], [sflag:$0x8], $0x40, s9, s19, $0xb8;
	[tilespmem:$0x17000] =	vst v63  }
0x103: {  	_ =	swait.ge [sflag:s30], $0x2000  }
0x104: {  	[sflag:s30] =	ssyncset.done $0x0  }
0x105: {  	[sflag:s30] =	ssyncadd.s32 $0xFFFFE000  }
0x106: {  	_ =	swait.ge [sflag:s31], $0x2000  }
0x107: {  	[sflag:s31] =	ssyncset.done $0x0  }
0x108: {  	[sflag:s31] =	ssyncadd.s32 $0xFFFFE000  }
0x109: {  	_ =	swait.ge [sflag:s1], $0x2000  }
0x10a: {  	[sflag:s1] =	ssyncset.done $0x0  }
0x10b: {  	[sflag:s1] =	ssyncadd.s32 $0xFFFFE000  }
0x10c: {  	s10 =	stileid.u32;
	_ =	swait.ge [sflag:s0], $0x2000  }
0x10d: {  	s18 =	sshrl.u32 s5, $0x3;
	s3 =	sadd.s32 $0x1, s3;
	[sflag:s0] =	ssyncset.done $0x0  }
0x10e: {  	s10 =	sshll.u32 s10, $0x6;
	p0 =	sne.s32 s3, s15;
	[sflag:s0] =	ssyncadd.s32 $0xFFFFE000  }
.Ltmp3:
0x10f: {  	s10 =	sor.u32 $0x1C09, s10;
	[bflag:$0x0] =	sbarrier.arrive $0xFFFF;
	(pc) =	sbr.rel @p0 .LBB2_1-.Ltmp3, $4  }
0x110: {  	[hbm:s14], [sflag:s10] =	dma.local [spmem:s18], $0x1400  }
0x111: {  	_ =	swait.ge [sflag:s17], $0x1400  }
0x112: {  	[sflag:s17] =	ssyncset.done $0x0  }
0x113: {  	[sflag:s17] =	ssyncadd.s32 $0xFFFFEC00  }
0x114: {  	_ =	sfence.sel $0x180000  }
0x115: {  	[bflag:$0x0] =	sbarrier.arrive $0xFFFF  }
0x116: {  	_ =	strace $0x9000004A  }
0x117: {  	s0 =	stileid.u32;
	[bflag:$0x2] =	sbarrier.arrive $0xFFFF  }
0x118: {  	p0 =	sne.s32 s0, $0x0;
	s0 =	rddreg [dreg:$0x2]  }
0x119: {  	s0 =	sadd.s32 @!p0 $0x100000, s0  }
0x11a: {  	[sflag:s0] =	ssyncadd.tile.s32 @!p0 $0x1;
	_ =	shalt  }
.Lfunc_end2:
_tile_overlayer_lowered:
.L_overlay_start_2:
0x11b: {  	(tag) =	ssettag $0x2  }
0x11c: {  	s0 =	rddreg [dreg:$0x0];
	s2 =	stileid.u32  }
0x11d: {  	s1 =	rddreg [dreg:$0x1];
	p0 =	sne.s32 s2, $0x0  }
0x11e: {  	s3 =	rddreg [dreg:$0x2];
	[bflag:$0x3] =	sbarrier.arrive $0xFFFF;
	s2 =	simm.s32 @!p0 $0x1C09  }
0x11f: {  	[timem:s3], [sflag:s2] =	dma.local @!p0 [hbm:s0], s1  }
0x120: {  	s0 =	simm.s32 @!p0 $0x9  }
0x121: {  	_ =	swait.ge @!p0 [sflag:s0], s1  }
0x122: {  	s1 =	ssub.s32 @!p0 $0x0, s1;
	[sflag:s0] =	ssyncset.done @!p0 $0x0  }
0x123: {  	[sflag:s0] =	ssyncadd.s32 @!p0 s1  }
0x124: {  	[bflag:$0x3] =	sbarrier.arrive $0xFFFF  }
0x125: {  	_ =	shalt  }

</sc_bundles>
